<compile_context>
chip_gen: v7x
topology: tpu7x:2x2x1
jax: 0.10.2.dev20260603
libtpu: 0.0.44.dev20260713+nightly
codegen_flags: <defaults>
</compile_context>

<pallas_src>
import functools

import jax
import jax.numpy as jnp
from jax import lax
from jax.experimental import pallas as pl
from jax.experimental.pallas import tpu as pltpu
from jax.experimental.pallas import tpu_sc as plsc

N = 10000
E = 320000
R = 65
D = 128
H = 128
B = 200

NP = 10240
EP = 327680
BN = 512
NBLK = NP // BN
BH = 640
JBLK = (R * H) // BH
BP = 256

_CH = 128
_HH = H // 2
_EPW = EP // 16
_NCHUNK = _EPW // _CH
_ECROWS = EP // _CH
_RPS = NP // 16


_HI = lax.Precision.HIGHEST


def _bdot(a, b):
    return jnp.dot(a.astype(jnp.bfloat16), b.astype(jnp.bfloat16),
                   preferred_element_type=jnp.float32)


def _mm_body(h_ref, w_ref, y_ref):
    y_ref[...] = _bdot(h_ref[...], w_ref[...])


def _relmatmul(h, wt):
    return pl.pallas_call(
        _mm_body,
        grid=(JBLK, NBLK),
        in_specs=[
            pl.BlockSpec((BN, D), lambda j, i: (i, 0)),
            pl.BlockSpec((D, BH), lambda j, i: (0, j)),
        ],
        out_specs=pl.BlockSpec((BN, BH), lambda j, i: (i, j)),
        out_shape=jax.ShapeDtypeStruct((NP, R * H), jnp.float32),
    )(h, wt)


def _sc_body(y_hbm, fidx_hbm, dst_hbm, out_hbm,
             fidxv, dstv, rv0, rv1, acc, sem0, sem1):
    c = lax.axis_index("c")
    s = lax.axis_index("s")

    def _zb(t, carry):
        rv0[t // (_HH // 16), pl.ds((t % (_HH // 16)) * 16, 16)] = (
            jnp.zeros((16,), jnp.float32))
        return carry
    lax.fori_loop(0, _CH * (_HH // 16), _zb, 0)

    def _za(j, carry):
        pltpu.sync_copy(rv0, acc.at[pl.ds(s * _RPS + j * _CH, _CH)])
        return carry
    lax.fori_loop(0, _RPS // _CH, _za, 0)

    pltpu.sync_copy(fidx_hbm.at[pl.ds(c * _ECROWS + s * _NCHUNK, _NCHUNK)],
                    fidxv)
    pltpu.sync_copy(dst_hbm.at[pl.ds(s * _NCHUNK, _NCHUNK)], dstv)
    plsc.subcore_barrier()

    def _one(k, carry):
        pltpu.async_copy(y_hbm.at[fidxv.at[k]], rv0, sem0).wait()
        pltpu.sync_copy(rv0, acc.at[dstv.at[k]], add=True)
        return carry
    lax.fori_loop(0, _NCHUNK, _one, 0)
    plsc.subcore_barrier()

    pltpu.sync_copy(acc.at[pl.ds(s * _RPS, _RPS)],
                    out_hbm.at[c, pl.ds(s * _RPS, _RPS)])


@functools.cache
def _build_sc_kernel():
    mesh = plsc.VectorSubcoreMesh(core_axis_name="c", subcore_axis_name="s",
                                  num_cores=2, num_subcores=16)
    return pl.kernel(
        _sc_body,
        out_type=jax.ShapeDtypeStruct((2, NP, _HH), jnp.float32),
        mesh=mesh,
        compiler_params=pltpu.CompilerParams(use_tc_tiling_on_sc=False),
        scratch_types=[
            pltpu.VMEM((_NCHUNK, _CH), jnp.int32),
            pltpu.VMEM((_NCHUNK, _CH), jnp.int32),
            pltpu.VMEM((_CH, _HH), jnp.float32),
            pltpu.VMEM((_CH, _HH), jnp.float32),
            pltpu.VMEM_SHARED((NP, _HH), jnp.float32),
            pltpu.SemaphoreType.DMA,
            pltpu.SemaphoreType.DMA,
        ],
    )


def _sc_gather_scatter(y2, fidx01, dst_p):
    return _build_sc_kernel()(y2.reshape(NP * R * 2, _HH),
                              fidx01.reshape(2 * _ECROWS, _CH),
                              dst_p.reshape(_ECROWS, _CH))


def _post_body(p_ref, h_ref, loopw_ref, resw_ref, bias_ref, resb_ref,
               bng_ref, bnb_ref, o_ref):
    h = h_ref[...]
    agg = jnp.concatenate([p_ref[0], p_ref[1]], axis=-1)
    new = agg + bias_ref[...] + _bdot(h, loopw_ref[...])
    new = jnp.maximum(new, 0.0)
    res = jnp.maximum(_bdot(h, resw_ref[...]) + resb_ref[...], 0.0)
    new = new + res
    scale = bng_ref[...] * (1.0 / jnp.sqrt(1.0 + 1e-5))
    o_ref[...] = new * scale + bnb_ref[...]


def _post(part, h, loopw, resw, bias, resb, bng, bnb):
    vec = pl.BlockSpec((1, H), lambda i: (0, 0))
    return pl.pallas_call(
        _post_body,
        grid=(NBLK,),
        in_specs=[
            pl.BlockSpec((2, BN, _HH), lambda i: (0, i, 0)),
            pl.BlockSpec((BN, H), lambda i: (i, 0)),
            pl.BlockSpec((D, H), lambda i: (0, 0)),
            pl.BlockSpec((D, H), lambda i: (0, 0)),
            vec, vec, vec, vec,
        ],
        out_specs=pl.BlockSpec((BN, H), lambda i: (i, 0)),
        out_shape=jax.ShapeDtypeStruct((NP, H), jnp.float32),
    )(part, h, loopw, resw, bias, resb, bng, bnb)


def _readout_body(h_ref, gid_ref, sm_ref, awm_ref, awb_ref, w_ref, hg_ref):
    i = pl.program_id(0)
    h = h_ref[...]
    wfull = _bdot(h, awm_ref[...])
    col0 = lax.broadcasted_iota(jnp.int32, (BN, H), 1) == 0
    wcol = jnp.sum(jnp.where(col0, wfull, 0.0), axis=1, keepdims=True)
    wcol = jax.nn.sigmoid(wcol + awb_ref[0, 0])
    wcol = wcol * sm_ref[...]
    w_ref[...] = wcol
    hw = h * wcol
    g = gid_ref[0, 0, :]
    oh = (g[:, None] == lax.broadcasted_iota(jnp.int32, (BN, BP), 1))
    contrib = lax.dot_general(oh.astype(jnp.float32), hw,
                              (((0,), (0,)), ((), ())), precision=_HI,
                              preferred_element_type=jnp.float32)

    @pl.when(i == 0)
    def _():
        hg_ref[...] = contrib

    @pl.when(i > 0)
    def _():
        hg_ref[...] += contrib


def _readout(h, gid3, smask, awm, awb):
    return pl.pallas_call(
        _readout_body,
        grid=(NBLK,),
        in_specs=[
            pl.BlockSpec((BN, H), lambda i: (i, 0)),
            pl.BlockSpec((1, 1, BN), lambda i: (i, 0, 0)),
            pl.BlockSpec((BN, 1), lambda i: (i, 0)),
            pl.BlockSpec((H, H), lambda i: (0, 0)),
            pl.BlockSpec((1, 1), lambda i: (0, 0)),
        ],
        out_specs=[
            pl.BlockSpec((BN, 1), lambda i: (i, 0)),
            pl.BlockSpec((BP, H), lambda i: (0, 0)),
        ],
        out_shape=[
            jax.ShapeDtypeStruct((NP, 1), jnp.float32),
            jax.ShapeDtypeStruct((BP, H), jnp.float32),
        ],
    )(h, gid3, smask, awm, awb)


def _ffn_body(hg_ref, w1_ref, b1_ref, g1_ref, e1_ref,
              w2_ref, b2_ref, g2_ref, e2_ref,
              w3_ref, b3_ref, g3_ref, e3_ref,
              pwt_ref, pb_ref, o_ref):
    inv = 1.0 / jnp.sqrt(1.0 + 1e-5)

    def dense_bn(x, w, b, g, e):
        y = jnp.maximum(_bdot(x, w[...]) + b[...], 0.0)
        return y * (g[...] * inv) + e[...]

    x = dense_bn(hg_ref[...], w1_ref, b1_ref, g1_ref, e1_ref)
    x = dense_bn(x, w2_ref, b2_ref, g2_ref, e2_ref)
    x = dense_bn(x, w3_ref, b3_ref, g3_ref, e3_ref)
    pfull = _bdot(x, pwt_ref[...])
    col0 = lax.broadcasted_iota(jnp.int32, (BP, H), 1) == 0
    o_ref[...] = (jnp.sum(jnp.where(col0, pfull, 0.0), axis=1, keepdims=True)
                  + pb_ref[0, 0])


def _ffn(hg, w1, b1, g1, e1, w2, b2, g2, e2, w3, b3, g3, e3, pwt, pb):
    mat = pl.BlockSpec((H, H), lambda: (0, 0))
    vec = pl.BlockSpec((1, H), lambda: (0, 0))
    return pl.pallas_call(
        _ffn_body,
        grid=(),
        in_specs=[pl.BlockSpec((BP, H), lambda: (0, 0)),
                  mat, vec, vec, vec,
                  mat, vec, vec, vec,
                  mat, vec, vec, vec,
                  mat, pl.BlockSpec((1, 1), lambda: (0, 0))],
        out_specs=pl.BlockSpec((BP, 1), lambda: (0, 0)),
        out_shape=jax.ShapeDtypeStruct((BP, 1), jnp.float32),
    )(hg, w1, b1, g1, e1, w2, b2, g2, e2, w3, b3, g3, e3, pwt, pb)


def kernel(rgcn_node_feats, smask_feats, edge_index, etype, graph_ids,
           W0, loopW0, bias0, resW0, resb0, bng0, bnb0,
           W1, loopW1, bias1, resW1, resb1, bng1, bnb1,
           awW, awb,
           fc1W, fc1b, fc1g, fc1be,
           fc2W, fc2b, fc2g, fc2be,
           fc3W, fc3b, fc3g, fc3be,
           predW, predb):
    src = edge_index[0]
    dst = edge_index[1]

    fidx = src * R + etype
    pad = EP - E
    fidx_p = jnp.concatenate([fidx, jnp.zeros((pad,), jnp.int32)])
    dst_p = jnp.concatenate([dst, jnp.full((pad,), NP - 1, jnp.int32)])
    fidx01 = jnp.stack([2 * fidx_p, 2 * fidx_p + 1])

    h = jnp.pad(rgcn_node_feats, ((0, NP - N), (0, 0)))
    gid3 = jnp.pad(graph_ids, (0, NP - N), constant_values=BP - 1)
    gid3 = gid3.reshape(NBLK, 1, BN)
    smask_p = jnp.pad(smask_feats, ((0, NP - N), (0, 0)))

    def _wlayout(W):
        return jnp.transpose(W, (1, 0, 2)).reshape(D, R * H)
    wt0 = _wlayout(W0)
    wt1 = _wlayout(W1)
    row = lambda v: v.reshape(1, -1)
    awm = jnp.pad(awW, ((0, 0), (0, H - 1)))
    pwt = jnp.pad(predW, ((0, 0), (0, H - 1)))

    for wt, loopw, resw, bias, resb, bng, bnb in (
            (wt0, loopW0, resW0, bias0, resb0, bng0, bnb0),
            (wt1, loopW1, resW1, bias1, resb1, bng1, bnb1)):
        y2 = _relmatmul(h, wt)
        part = _sc_gather_scatter(y2, fidx01, dst_p)
        h = _post(part, h, loopw, resw, row(bias), row(resb),
                  row(bng), row(bnb))

    weight_p, hg = _readout(h, gid3, smask_p, awm, awb.reshape(1, 1))
    out_p = _ffn(hg,
                 fc1W, row(fc1b), row(fc1g), row(fc1be),
                 fc2W, row(fc2b), row(fc2g), row(fc2be),
                 fc3W, row(fc3b), row(fc3g), row(fc3be),
                 pwt, predb.reshape(1, 1))
    return (out_p[:B], weight_p[:N])

# --- scband reference (transcript-rebuilt; emitter-appended) ---
"""Pipeline reference for scband-rgcn-33646773797273 (READ-ONLY COPY).

The authoritative reference and input builder live on the scoring server;
editing this copy changes nothing except your own understanding.
"""

import jax, jax.numpy as jnp
import numpy as np

N = 10000
E = 320000
R = 65
D = 128
H = 128
FH = 128
B = 200


def _init(key, shape, scale=0.1):
    return scale * jax.random.normal(key, shape, dtype=jnp.float32)


def setup_inputs(seed: int = 0) -> dict:
    key = jax.random.key(seed)
    ks = jax.random.split(key, 64)
    inp = {}
    inp["rgcn_node_feats"] = jax.random.normal(ks[0], (N, D), dtype=jnp.float32)
    inp["smask_feats"] = jnp.ones((N, 1), dtype=jnp.float32)
    inp["edge_index"] = jax.random.randint(ks[1], (2, E), 0, N, dtype=jnp.int32)
    inp["etype"] = jax.random.randint(ks[2], (E,), 0, R, dtype=jnp.int32)
    inp["graph_ids"] = jnp.sort(jax.random.randint(ks[3], (N,), 0, B, dtype=jnp.int32))
    i = 4
    for l, (din, dout) in enumerate([(D, H), (H, H)]):
        inp[f"W{l}"] = _init(ks[i], (R, din, dout)); i += 1
        inp[f"loopW{l}"] = _init(ks[i], (din, dout)); i += 1
        inp[f"bias{l}"] = jnp.zeros((dout,), dtype=jnp.float32)
        inp[f"resW{l}"] = _init(ks[i], (din, dout)); i += 1
        inp[f"resb{l}"] = jnp.zeros((dout,), dtype=jnp.float32)
        inp[f"bng{l}"] = jnp.ones((dout,), dtype=jnp.float32)
        inp[f"bnb{l}"] = jnp.zeros((dout,), dtype=jnp.float32)
    inp["awW"] = _init(ks[i], (H, 1)); i += 1
    inp["awb"] = jnp.zeros((1,), dtype=jnp.float32)
    for name, (din, dout) in [("fc1", (H, FH)), ("fc2", (FH, FH)), ("fc3", (FH, FH))]:
        inp[f"{name}W"] = _init(ks[i], (din, dout)); i += 1
        inp[f"{name}b"] = jnp.zeros((dout,), dtype=jnp.float32)
        inp[f"{name}g"] = jnp.ones((dout,), dtype=jnp.float32)
        inp[f"{name}be"] = jnp.zeros((dout,), dtype=jnp.float32)
    inp["predW"] = _init(ks[i], (FH, 1)); i += 1
    inp["predb"] = jnp.zeros((1,), dtype=jnp.float32)
    return inp


def _bn(x, g, b):
    # BatchNorm1d in eval mode with default running stats (mean=0, var=1)
    return x * (g / jnp.sqrt(1.0 + 1e-5)) + b


def _rgcn_layer(h, src, dst, etype, W, loopW, bias, resW, resb, bng, bnb):
    # RelGraphConv (basis regularizer, num_bases == num_rels -> per-relation weight)
    xW = jnp.einsum('ni,rio->nro', h, W)          # [N, R, out]
    m = xW[src, etype]                             # per-edge gather [E, out]
    agg = jax.ops.segment_sum(m, dst, num_segments=h.shape[0])  # scatter-add
    new = agg + bias + h @ loopW                   # bias + self-loop
    new = jax.nn.relu(new)                         # activation (dropout=identity in eval)
    res = jax.nn.relu(h @ resW + resb)             # residual branch
    new = new + res
    return _bn(new, bng, bnb)


def reference(rgcn_node_feats, smask_feats, edge_index, etype, graph_ids,
              W0, loopW0, bias0, resW0, resb0, bng0, bnb0,
              W1, loopW1, bias1, resW1, resb1, bng1, bnb1,
              awW, awb,
              fc1W, fc1b, fc1g, fc1be,
              fc2W, fc2b, fc2g, fc2be,
              fc3W, fc3b, fc3g, fc3be,
              predW, predb):
    src = edge_index[0]
    dst = edge_index[1]
    h = _rgcn_layer(rgcn_node_feats, src, dst, etype, W0, loopW0, bias0, resW0, resb0, bng0, bnb0)
    h = _rgcn_layer(h, src, dst, etype, W1, loopW1, bias1, resW1, resb1, bng1, bnb1)
    # WeightAndSum readout
    weight = jax.nn.sigmoid(h @ awW + awb) * smask_feats   # [N, 1]
    hg = jax.ops.segment_sum(h * weight, graph_ids, num_segments=B)  # [B, H]
    # FFN head (dropout=identity in eval; BN in eval mode)
    h1 = _bn(jax.nn.relu(hg @ fc1W + fc1b), fc1g, fc1be)
    h2 = _bn(jax.nn.relu(h1 @ fc2W + fc2b), fc2g, fc2be)
    h3 = _bn(jax.nn.relu(h2 @ fc3W + fc3b), fc3g, fc3be)
    out = h3 @ predW + predb
    return (out, weight)

if __name__ == "__main__":
    import jax
    _d = setup_inputs()
    print(jax.jit(kernel)(*tuple(_d.values())))

</pallas_src>

<mosaic_0001>
#map = affine_map<(d0, d1) -> (0, 0)>
#map1 = affine_map<(d0, d1) -> (0, 0, 0)>
module attributes {stable_mosaic.version = 14 : i64} {
  func.func @_sc_body(%arg0: i32, %arg1: i32, %arg2: memref<1331200x64xf32, #tpu.memory_space<hbm>>, %arg3: memref<5120x128xi32, #tpu.memory_space<hbm>>, %arg4: memref<2560x128xi32, #tpu.memory_space<hbm>>, %arg5: memref<2x10240x64xf32, #tpu.memory_space<hbm>>, %arg6: memref<160x128xi32, #tpu.memory_space<vmem>>, %arg7: memref<160x128xi32, #tpu.memory_space<vmem>>, %arg8: memref<128x64xf32, #tpu.memory_space<vmem>>, %arg9: memref<128x64xf32, #tpu.memory_space<vmem>>, %arg10: memref<10240x64xf32, #tpu.memory_space<vmem_shared>>, %arg11: memref<!tpu.dma_semaphore, #tpu.memory_space<semaphore_mem>>, %arg12: memref<!tpu.dma_semaphore, #tpu.memory_space<semaphore_mem>>) attributes {dimension_semantics = [#tpu.dimension_semantics<core_parallel>, #tpu.dimension_semantics<subcore_parallel>], iteration_bounds = array<i64: 2, 16>, scalar_prefetch = 0 : i64, scratch_operands = 7 : i64, tpu.core_type = #tpu.core_type<sc_vector_subcore>, window_params = [{transform_indices = #map}, {transform_indices = #map}, {transform_indices = #map}, {transform_indices = #map1}]} {
    %scan3A = arith.constant 0 : i32
    %scan3A_0 = arith.constant 0 : i32
    %scan3A_1 = arith.constant 512 : i32
    %scan3A_2 = arith.addi %scan3A_0, %scan3A_1 : i32
    %scan3A_3 = arith.constant 1 : i32
    scf.for %scan3A_27 = %scan3A_0 to %scan3A_2 step %scan3A_3  : i32 {
      %broadcast_in_dim3A = arith.constant 0.000000e+00 : f32
      %broadcast_in_dim3A_28 = vector.broadcast %broadcast_in_dim3A : f32 to vector<16xf32>
      %jit3A = arith.constant 4 : i32
      %div3A = arith.divsi %scan3A_27, %jit3A : i32
      %sign3A = arith.constant 0 : i32
      %sign3A_29 = arith.cmpi sgt, %scan3A_27, %sign3A : i32
      %sign3A_30 = arith.extui %sign3A_29 : i1 to i32
      %sign3A_31 = arith.constant 0 : i32
      %sign3A_32 = arith.cmpi slt, %scan3A_27, %sign3A_31 : i32
      %sign3A_33 = arith.extui %sign3A_32 : i1 to i32
      %sign3A_34 = arith.subi %sign3A_30, %sign3A_33 : i32
      %sign3A_35 = arith.constant 0 : i32
      %sign3A_36 = arith.cmpi sgt, %jit3A, %sign3A_35 : i32
      %sign3A_37 = arith.extui %sign3A_36 : i1 to i32
      %sign3A_38 = arith.constant 0 : i32
      %sign3A_39 = arith.cmpi slt, %jit3A, %sign3A_38 : i32
      %sign3A_40 = arith.extui %sign3A_39 : i1 to i32
      %sign3A_41 = arith.subi %sign3A_37, %sign3A_40 : i32
      %ne3A = arith.cmpi ne, %sign3A_34, %sign3A_41 : i32
      %rem3A = arith.remsi %scan3A_27, %jit3A : i32
      %ne3A_42 = arith.constant 0 : i32
      %ne3A_43 = arith.cmpi ne, %rem3A, %ne3A_42 : i32
      %and3A = arith.andi %ne3A, %ne3A_43 : i1
      %sub3A = arith.constant 1 : i32
      %sub3A_44 = arith.subi %div3A, %sub3A : i32
      %select_n3A = arith.select %and3A, %sub3A_44, %div3A : i32
      %jit3A_45 = arith.constant 4 : i32
      %eq3A = arith.constant 0 : i32
      %eq3A_46 = arith.cmpi eq, %jit3A_45, %eq3A : i32
      %jit3A_47 = arith.constant 1 : i32
      %select_n3A_48 = arith.select %eq3A_46, %jit3A_47, %jit3A_45 : i32
      %rem3A_49 = arith.remsi %scan3A_27, %select_n3A_48 : i32
      %ne3A_50 = arith.constant 0 : i32
      %ne3A_51 = arith.cmpi ne, %rem3A_49, %ne3A_50 : i32
      %lt3A = arith.constant 0 : i32
      %lt3A_52 = arith.cmpi slt, %rem3A_49, %lt3A : i32
      %lt3A_53 = arith.constant 0 : i32
      %lt3A_54 = arith.cmpi slt, %select_n3A_48, %lt3A_53 : i32
      %ne3A_55 = arith.xori %lt3A_52, %lt3A_54 : i1
      %and3A_56 = arith.andi %ne3A_55, %ne3A_51 : i1
      %add3A_57 = arith.addi %rem3A_49, %select_n3A_48 : i32
      %select_n3A_58 = arith.select %and3A_56, %add3A_57, %rem3A_49 : i32
      %mul3A_59 = arith.constant 16 : i32
      %mul3A_60 = arith.muli %select_n3A_58, %mul3A_59 : i32
      %swap3A = arith.index_cast %select_n3A : i32 to index
      %swap3A_61 = arith.index_cast %mul3A_60 : i32 to index
      %swap3A_62 = tpu.vector_load %arg8[%swap3A, %swap3A_61] {strides = array<i32>} : memref<128x64xf32, #tpu.memory_space<vmem>>, vector<1x16xf32>,
      %swap3A_63 = vector.shape_cast %swap3A_62 : vector<1x16xf32> to vector<16xf32>
      %swap3A_64 = vector.shape_cast %broadcast_in_dim3A_28 : vector<16xf32> to vector<1x16xf32>
      tpu.vector_store %arg8[%swap3A, %swap3A_61], %swap3A_64 {strides = array<i32>} : memref<128x64xf32, #tpu.memory_space<vmem>>, vector<1x16xf32>,
    }
    %scan3A_4 = arith.constant 512 : i32
    %scan3A_5 = arith.constant 0 : i32
    %scan3A_6 = arith.constant 0 : i32
    %scan3A_7 = arith.constant 5 : i32
    %scan3A_8 = arith.addi %scan3A_6, %scan3A_7 : i32
    %scan3A_9 = arith.constant 1 : i32
    scf.for %scan3A_27 = %scan3A_6 to %scan3A_8 step %scan3A_9  : i32 {
      %mul3A_28 = arith.constant 640 : i32
      %mul3A_29 = arith.muli %arg1, %mul3A_28 : i32
      %mul3A_30 = arith.constant 128 : i32
      %mul3A_31 = arith.muli %scan3A_27, %mul3A_30 : i32
      %add3A_32 = arith.addi %mul3A_29, %mul3A_31 : i32
      "tpu.region"() ({
        %run_scoped3A = tpu.sem_alloc : memref<!tpu.dma_semaphore, #tpu.memory_space<semaphore_mem>>
        %dma_start3A = arith.constant 0 : i32
        %dma_start3A_33 = tpu.memref_slice %arg10[%add3A_32, %dma_start3A] : memref<10240x64xf32, #tpu.memory_space<vmem_shared>> -> memref<128x64xf32, #tpu.memory_space<vmem_shared>>
        %dma_start3A_34 = arith.constant 0 : i32
        %dma_start3A_35 = tpu.memref_slice %arg10[%add3A_32, %dma_start3A_34] : memref<10240x64xf32, #tpu.memory_space<vmem_shared>> -> memref<128x64xf32, #tpu.memory_space<vmem_shared>>
        tpu.enqueue_dma source(%arg8 : memref<128x64xf32, #tpu.memory_space<vmem>>) target(%dma_start3A_35 : memref<128x64xf32, #tpu.memory_space<vmem_shared>>) target_semaphore(%run_scoped3A : memref<!tpu.dma_semaphore, #tpu.memory_space<semaphore_mem>>)
        %dma_wait3A = arith.constant 0 : i32
        %dma_wait3A_36 = tpu.memref_slice %arg10[%add3A_32, %dma_wait3A] : memref<10240x64xf32, #tpu.memory_space<vmem_shared>> -> memref<128x64xf32, #tpu.memory_space<vmem_shared>>
        %dma_wait3A_37 = arith.constant 0 : i32
        %dma_wait3A_38 = tpu.memref_slice %arg10[%add3A_32, %dma_wait3A_37] : memref<10240x64xf32, #tpu.memory_space<vmem_shared>> -> memref<128x64xf32, #tpu.memory_space<vmem_shared>>
        tpu.wait_dma2 semaphore(%run_scoped3A : memref<!tpu.dma_semaphore, #tpu.memory_space<semaphore_mem>>) src(%arg8 : memref<128x64xf32, #tpu.memory_space<vmem>>) dst(%dma_wait3A_38 : memref<128x64xf32, #tpu.memory_space<vmem_shared>>)
        tpu.yield
      }) : () -> ()
    }
    %scan3A_10 = arith.constant 5 : i32
    %mul3A = arith.constant 2560 : i32
    %mul3A_11 = arith.muli %arg0, %mul3A : i32
    %mul3A_12 = arith.constant 160 : i32
    %mul3A_13 = arith.muli %arg1, %mul3A_12 : i32
    %add3A = arith.addi %mul3A_11, %mul3A_13 : i32
    "tpu.region"() ({
      %run_scoped3A = tpu.sem_alloc : memref<!tpu.dma_semaphore, #tpu.memory_space<semaphore_mem>>
      %dma_start3A = arith.constant 0 : i32
      %dma_start3A_27 = tpu.memref_slice %arg3[%add3A, %dma_start3A] : memref<5120x128xi32, #tpu.memory_space<hbm>> -> memref<160x128xi32, #tpu.memory_space<hbm>>
      %dma_start3A_28 = arith.constant 0 : i32
      %dma_start3A_29 = tpu.memref_slice %arg3[%add3A, %dma_start3A_28] : memref<5120x128xi32, #tpu.memory_space<hbm>> -> memref<160x128xi32, #tpu.memory_space<hbm>>
      tpu.enqueue_dma source(%dma_start3A_29 : memref<160x128xi32, #tpu.memory_space<hbm>>) target(%arg6 : memref<160x128xi32, #tpu.memory_space<vmem>>) target_semaphore(%run_scoped3A : memref<!tpu.dma_semaphore, #tpu.memory_space<semaphore_mem>>)
      %dma_wait3A = arith.constant 0 : i32
      %dma_wait3A_30 = tpu.memref_slice %arg3[%add3A, %dma_wait3A] : memref<5120x128xi32, #tpu.memory_space<hbm>> -> memref<160x128xi32, #tpu.memory_space<hbm>>
      %dma_wait3A_31 = arith.constant 0 : i32
      %dma_wait3A_32 = tpu.memref_slice %arg3[%add3A, %dma_wait3A_31] : memref<5120x128xi32, #tpu.memory_space<hbm>> -> memref<160x128xi32, #tpu.memory_space<hbm>>
      tpu.wait_dma2 semaphore(%run_scoped3A : memref<!tpu.dma_semaphore, #tpu.memory_space<semaphore_mem>>) src(%dma_wait3A_32 : memref<160x128xi32, #tpu.memory_space<hbm>>) dst(%arg6 : memref<160x128xi32, #tpu.memory_space<vmem>>)
      tpu.yield
    }) : () -> ()
    %mul3A_14 = arith.constant 160 : i32
    %mul3A_15 = arith.muli %arg1, %mul3A_14 : i32
    "tpu.region"() ({
      %run_scoped3A = tpu.sem_alloc : memref<!tpu.dma_semaphore, #tpu.memory_space<semaphore_mem>>
      %dma_start3A = arith.constant 0 : i32
      %dma_start3A_27 = tpu.memref_slice %arg4[%mul3A_15, %dma_start3A] : memref<2560x128xi32, #tpu.memory_space<hbm>> -> memref<160x128xi32, #tpu.memory_space<hbm>>
      %dma_start3A_28 = arith.constant 0 : i32
      %dma_start3A_29 = tpu.memref_slice %arg4[%mul3A_15, %dma_start3A_28] : memref<2560x128xi32, #tpu.memory_space<hbm>> -> memref<160x128xi32, #tpu.memory_space<hbm>>
      tpu.enqueue_dma source(%dma_start3A_29 : memref<160x128xi32, #tpu.memory_space<hbm>>) target(%arg7 : memref<160x128xi32, #tpu.memory_space<vmem>>) target_semaphore(%run_scoped3A : memref<!tpu.dma_semaphore, #tpu.memory_space<semaphore_mem>>)
      %dma_wait3A = arith.constant 0 : i32
      %dma_wait3A_30 = tpu.memref_slice %arg4[%mul3A_15, %dma_wait3A] : memref<2560x128xi32, #tpu.memory_space<hbm>> -> memref<160x128xi32, #tpu.memory_space<hbm>>
      %dma_wait3A_31 = arith.constant 0 : i32
      %dma_wait3A_32 = tpu.memref_slice %arg4[%mul3A_15, %dma_wait3A_31] : memref<2560x128xi32, #tpu.memory_space<hbm>> -> memref<160x128xi32, #tpu.memory_space<hbm>>
      tpu.wait_dma2 semaphore(%run_scoped3A : memref<!tpu.dma_semaphore, #tpu.memory_space<semaphore_mem>>) src(%dma_wait3A_32 : memref<160x128xi32, #tpu.memory_space<hbm>>) dst(%arg7 : memref<160x128xi32, #tpu.memory_space<vmem>>)
      tpu.yield
    }) : () -> ()
    %barrier3A = arith.constant 0 : index
    tpu.barrier barrier_id(%barrier3A)
    %scan3A_16 = arith.constant 0 : i32
    %scan3A_17 = arith.constant 0 : i32
    %scan3A_18 = arith.constant 160 : i32
    %scan3A_19 = arith.addi %scan3A_17, %scan3A_18 : i32
    %scan3A_20 = arith.constant 1 : i32
    scf.for %scan3A_27 = %scan3A_17 to %scan3A_19 step %scan3A_20  : i32 {
      %dma_start3A = arith.constant 0 : i32
      %dma_start3A_28 = tpu.memref_slice %arg6[%scan3A_27, %dma_start3A] : memref<160x128xi32, #tpu.memory_space<vmem>> -> memref<1x128xi32, #tpu.memory_space<vmem>>
      %dma_start3A_29 = tpu.memref_squeeze %dma_start3A_28 : memref<1x128xi32, #tpu.memory_space<vmem>> -> memref<128xi32, #tpu.memory_space<vmem>>
      %dma_start3A_30 = arith.constant 0 : i32
      %dma_start3A_31 = arith.constant 0 : i32
      %dma_start3A_32 = tpu.memref_slice %arg2[%dma_start3A_30, %dma_start3A_31] : memref<1331200x64xf32, #tpu.memory_space<hbm>> -> memref<1331200x64xf32, #tpu.memory_space<hbm>>
      tpu.enqueue_indirect_dma source(%dma_start3A_32 : memref<1331200x64xf32, #tpu.memory_space<hbm>>) target(%arg8 : memref<128x64xf32, #tpu.memory_space<vmem>>) offsets(%dma_start3A_29 : memref<128xi32, #tpu.memory_space<vmem>>) semaphore(%arg11 : memref<!tpu.dma_semaphore, #tpu.memory_space<semaphore_mem>>)
      %dma_wait3A = arith.constant 0 : i32
      %dma_wait3A_33 = tpu.memref_slice %arg6[%scan3A_27, %dma_wait3A] : memref<160x128xi32, #tpu.memory_space<vmem>> -> memref<1x128xi32, #tpu.memory_space<vmem>>
      %dma_wait3A_34 = tpu.memref_squeeze %dma_wait3A_33 : memref<1x128xi32, #tpu.memory_space<vmem>> -> memref<128xi32, #tpu.memory_space<vmem>>
      %dma_wait3A_35 = arith.constant 0 : i32
      %dma_wait3A_36 = arith.constant 0 : i32
      %dma_wait3A_37 = tpu.memref_slice %arg2[%dma_wait3A_35, %dma_wait3A_36] : memref<1331200x64xf32, #tpu.memory_space<hbm>> -> memref<1331200x64xf32, #tpu.memory_space<hbm>>
      tpu.wait_indirect_dma semaphore(%arg11 : memref<!tpu.dma_semaphore, #tpu.memory_space<semaphore_mem>>) src(%dma_wait3A_37 : memref<1331200x64xf32, #tpu.memory_space<hbm>>) dst(%arg8 : memref<128x64xf32, #tpu.memory_space<vmem>>)
      "tpu.region"() ({
        %run_scoped3A = tpu.sem_alloc : memref<!tpu.dma_semaphore, #tpu.memory_space<semaphore_mem>>
        %dma_start3A_38 = arith.constant 0 : i32
        %dma_start3A_39 = tpu.memref_slice %arg7[%scan3A_27, %dma_start3A_38] : memref<160x128xi32, #tpu.memory_space<vmem>> -> memref<1x128xi32, #tpu.memory_space<vmem>>
        %dma_start3A_40 = tpu.memref_squeeze %dma_start3A_39 : memref<1x128xi32, #tpu.memory_space<vmem>> -> memref<128xi32, #tpu.memory_space<vmem>>
        %dma_start3A_41 = arith.constant 0 : i32
        %dma_start3A_42 = arith.constant 0 : i32
        %dma_start3A_43 = tpu.memref_slice %arg10[%dma_start3A_41, %dma_start3A_42] : memref<10240x64xf32, #tpu.memory_space<vmem_shared>> -> memref<10240x64xf32, #tpu.memory_space<vmem_shared>>
        tpu.enqueue_indirect_dma source(%arg8 : memref<128x64xf32, #tpu.memory_space<vmem>>) target(%dma_start3A_43 : memref<10240x64xf32, #tpu.memory_space<vmem_shared>>) offsets(%dma_start3A_40 : memref<128xi32, #tpu.memory_space<vmem>>) semaphore(%run_scoped3A : memref<!tpu.dma_semaphore, #tpu.memory_space<semaphore_mem>>) {add = true}
        %dma_wait3A_44 = arith.constant 0 : i32
        %dma_wait3A_45 = tpu.memref_slice %arg7[%scan3A_27, %dma_wait3A_44] : memref<160x128xi32, #tpu.memory_space<vmem>> -> memref<1x128xi32, #tpu.memory_space<vmem>>
        %dma_wait3A_46 = tpu.memref_squeeze %dma_wait3A_45 : memref<1x128xi32, #tpu.memory_space<vmem>> -> memref<128xi32, #tpu.memory_space<vmem>>
        %dma_wait3A_47 = arith.constant 0 : i32
        %dma_wait3A_48 = arith.constant 0 : i32
        %dma_wait3A_49 = tpu.memref_slice %arg10[%dma_wait3A_47, %dma_wait3A_48] : memref<10240x64xf32, #tpu.memory_space<vmem_shared>> -> memref<10240x64xf32, #tpu.memory_space<vmem_shared>>
        tpu.wait_indirect_dma semaphore(%run_scoped3A : memref<!tpu.dma_semaphore, #tpu.memory_space<semaphore_mem>>) src(%arg8 : memref<128x64xf32, #tpu.memory_space<vmem>>) dst(%dma_wait3A_49 : memref<10240x64xf32, #tpu.memory_space<vmem_shared>>)
        tpu.yield
      }) : () -> ()
    }
    %scan3A_21 = arith.constant 160 : i32
    %barrier3A_22 = arith.constant 0 : index
    tpu.barrier barrier_id(%barrier3A_22)
    %mul3A_23 = arith.constant 640 : i32
    %mul3A_24 = arith.muli %arg1, %mul3A_23 : i32
    %mul3A_25 = arith.constant 640 : i32
    %mul3A_26 = arith.muli %arg1, %mul3A_25 : i32
    "tpu.region"() ({
      %run_scoped3A = tpu.sem_alloc : memref<!tpu.dma_semaphore, #tpu.memory_space<semaphore_mem>>
      %dma_start3A = arith.constant 0 : i32
      %dma_start3A_27 = tpu.memref_slice %arg5[%arg0, %mul3A_26, %dma_start3A] : memref<2x10240x64xf32, #tpu.memory_space<hbm>> -> memref<1x640x64xf32, #tpu.memory_space<hbm>>
      %dma_start3A_28 = tpu.memref_squeeze %dma_start3A_27 : memref<1x640x64xf32, #tpu.memory_space<hbm>> -> memref<640x64xf32, #tpu.memory_space<hbm>>
      %dma_start3A_29 = arith.constant 0 : i32
      %dma_start3A_30 = tpu.memref_slice %arg10[%mul3A_24, %dma_start3A_29] : memref<10240x64xf32, #tpu.memory_space<vmem_shared>> -> memref<640x64xf32, #tpu.memory_space<vmem_shared>>
      tpu.enqueue_dma source(%dma_start3A_30 : memref<640x64xf32, #tpu.memory_space<vmem_shared>>) target(%dma_start3A_28 : memref<640x64xf32, #tpu.memory_space<hbm>>) target_semaphore(%run_scoped3A : memref<!tpu.dma_semaphore, #tpu.memory_space<semaphore_mem>>)
      %dma_wait3A = arith.constant 0 : i32
      %dma_wait3A_31 = tpu.memref_slice %arg5[%arg0, %mul3A_26, %dma_wait3A] : memref<2x10240x64xf32, #tpu.memory_space<hbm>> -> memref<1x640x64xf32, #tpu.memory_space<hbm>>
      %dma_wait3A_32 = tpu.memref_squeeze %dma_wait3A_31 : memref<1x640x64xf32, #tpu.memory_space<hbm>> -> memref<640x64xf32, #tpu.memory_space<hbm>>
      %dma_wait3A_33 = arith.constant 0 : i32
      %dma_wait3A_34 = tpu.memref_slice %arg10[%mul3A_24, %dma_wait3A_33] : memref<10240x64xf32, #tpu.memory_space<vmem_shared>> -> memref<640x64xf32, #tpu.memory_space<vmem_shared>>
      tpu.wait_dma2 semaphore(%run_scoped3A : memref<!tpu.dma_semaphore, #tpu.memory_space<semaphore_mem>>) src(%dma_wait3A_34 : memref<640x64xf32, #tpu.memory_space<vmem_shared>>) dst(%dma_wait3A_32 : memref<640x64xf32, #tpu.memory_space<hbm>>)
      tpu.yield
    }) : () -> ()
    return
  }
}

#map = affine_map<(d0, d1) -> (0, 0)>
#map1 = affine_map<(d0, d1) -> (0, 0, 0)>
module attributes {stable_mosaic.version = 14 : i64} {
  func.func @_sc_body(%arg0: i32, %arg1: i32, %arg2: memref<1331200x64xf32, #tpu.memory_space<hbm>>, %arg3: memref<5120x128xi32, #tpu.memory_space<hbm>>, %arg4: memref<2560x128xi32, #tpu.memory_space<hbm>>, %arg5: memref<2x10240x64xf32, #tpu.memory_space<hbm>>, %arg6: memref<160x128xi32, #tpu.memory_space<vmem>>, %arg7: memref<160x128xi32, #tpu.memory_space<vmem>>, %arg8: memref<128x64xf32, #tpu.memory_space<vmem>>, %arg9: memref<128x64xf32, #tpu.memory_space<vmem>>, %arg10: memref<10240x64xf32, #tpu.memory_space<vmem_shared>>, %arg11: memref<!tpu.dma_semaphore, #tpu.memory_space<semaphore_mem>>, %arg12: memref<!tpu.dma_semaphore, #tpu.memory_space<semaphore_mem>>) attributes {dimension_semantics = [#tpu.dimension_semantics<core_parallel>, #tpu.dimension_semantics<subcore_parallel>], iteration_bounds = array<i64: 2, 16>, scalar_prefetch = 0 : i64, scratch_operands = 7 : i64, tpu.core_type = #tpu.core_type<sc_vector_subcore>, window_params = [{transform_indices = #map}, {transform_indices = #map}, {transform_indices = #map}, {transform_indices = #map1}]} {
    %scan3A = arith.constant 0 : i32
    %scan3A_0 = arith.constant 0 : i32
    %scan3A_1 = arith.constant 512 : i32
    %scan3A_2 = arith.addi %scan3A_0, %scan3A_1 : i32
    %scan3A_3 = arith.constant 1 : i32
    scf.for %scan3A_27 = %scan3A_0 to %scan3A_2 step %scan3A_3  : i32 {
      %broadcast_in_dim3A = arith.constant 0.000000e+00 : f32
      %broadcast_in_dim3A_28 = vector.broadcast %broadcast_in_dim3A : f32 to vector<16xf32>
      %jit3A = arith.constant 4 : i32
      %div3A = arith.divsi %scan3A_27, %jit3A : i32
      %sign3A = arith.constant 0 : i32
      %sign3A_29 = arith.cmpi sgt, %scan3A_27, %sign3A : i32
      %sign3A_30 = arith.extui %sign3A_29 : i1 to i32
      %sign3A_31 = arith.constant 0 : i32
      %sign3A_32 = arith.cmpi slt, %scan3A_27, %sign3A_31 : i32
      %sign3A_33 = arith.extui %sign3A_32 : i1 to i32
      %sign3A_34 = arith.subi %sign3A_30, %sign3A_33 : i32
      %sign3A_35 = arith.constant 0 : i32
      %sign3A_36 = arith.cmpi sgt, %jit3A, %sign3A_35 : i32
      %sign3A_37 = arith.extui %sign3A_36 : i1 to i32
      %sign3A_38 = arith.constant 0 : i32
      %sign3A_39 = arith.cmpi slt, %jit3A, %sign3A_38 : i32
      %sign3A_40 = arith.extui %sign3A_39 : i1 to i32
      %sign3A_41 = arith.subi %sign3A_37, %sign3A_40 : i32
      %ne3A = arith.cmpi ne, %sign3A_34, %sign3A_41 : i32
      %rem3A = arith.remsi %scan3A_27, %jit3A : i32
      %ne3A_42 = arith.constant 0 : i32
      %ne3A_43 = arith.cmpi ne, %rem3A, %ne3A_42 : i32
      %and3A = arith.andi %ne3A, %ne3A_43 : i1
      %sub3A = arith.constant 1 : i32
      %sub3A_44 = arith.subi %div3A, %sub3A : i32
      %select_n3A = arith.select %and3A, %sub3A_44, %div3A : i32
      %jit3A_45 = arith.constant 4 : i32
      %eq3A = arith.constant 0 : i32
      %eq3A_46 = arith.cmpi eq, %jit3A_45, %eq3A : i32
      %jit3A_47 = arith.constant 1 : i32
      %select_n3A_48 = arith.select %eq3A_46, %jit3A_47, %jit3A_45 : i32
      %rem3A_49 = arith.remsi %scan3A_27, %select_n3A_48 : i32
      %ne3A_50 = arith.constant 0 : i32
      %ne3A_51 = arith.cmpi ne, %rem3A_49, %ne3A_50 : i32
      %lt3A = arith.constant 0 : i32
      %lt3A_52 = arith.cmpi slt, %rem3A_49, %lt3A : i32
      %lt3A_53 = arith.constant 0 : i32
      %lt3A_54 = arith.cmpi slt, %select_n3A_48, %lt3A_53 : i32
      %ne3A_55 = arith.xori %lt3A_52, %lt3A_54 : i1
      %and3A_56 = arith.andi %ne3A_55, %ne3A_51 : i1
      %add3A_57 = arith.addi %rem3A_49, %select_n3A_48 : i32
      %select_n3A_58 = arith.select %and3A_56, %add3A_57, %rem3A_49 : i32
      %mul3A_59 = arith.constant 16 : i32
      %mul3A_60 = arith.muli %select_n3A_58, %mul3A_59 : i32
      %swap3A = arith.index_cast %select_n3A : i32 to index
      %swap3A_61 = arith.index_cast %mul3A_60 : i32 to index
      %swap3A_62 = tpu.vector_load %arg8[%swap3A, %swap3A_61] {strides = array<i32>} : memref<128x64xf32, #tpu.memory_space<vmem>>, vector<1x16xf32>,
      %swap3A_63 = vector.shape_cast %swap3A_62 : vector<1x16xf32> to vector<16xf32>
      %swap3A_64 = vector.shape_cast %broadcast_in_dim3A_28 : vector<16xf32> to vector<1x16xf32>
      tpu.vector_store %arg8[%swap3A, %swap3A_61], %swap3A_64 {strides = array<i32>} : memref<128x64xf32, #tpu.memory_space<vmem>>, vector<1x16xf32>,
    }
    %scan3A_4 = arith.constant 512 : i32
    %scan3A_5 = arith.constant 0 : i32
    %scan3A_6 = arith.constant 0 : i32
    %scan3A_7 = arith.constant 5 : i32
    %scan3A_8 = arith.addi %scan3A_6, %scan3A_7 : i32
    %scan3A_9 = arith.constant 1 : i32
    scf.for %scan3A_27 = %scan3A_6 to %scan3A_8 step %scan3A_9  : i32 {
      %mul3A_28 = arith.constant 640 : i32
      %mul3A_29 = arith.muli %arg1, %mul3A_28 : i32
      %mul3A_30 = arith.constant 128 : i32
      %mul3A_31 = arith.muli %scan3A_27, %mul3A_30 : i32
      %add3A_32 = arith.addi %mul3A_29, %mul3A_31 : i32
      "tpu.region"() ({
        %run_scoped3A = tpu.sem_alloc : memref<!tpu.dma_semaphore, #tpu.memory_space<semaphore_mem>>
        %dma_start3A = arith.constant 0 : i32
        %dma_start3A_33 = tpu.memref_slice %arg10[%add3A_32, %dma_start3A] : memref<10240x64xf32, #tpu.memory_space<vmem_shared>> -> memref<128x64xf32, #tpu.memory_space<vmem_shared>>
        %dma_start3A_34 = arith.constant 0 : i32
        %dma_start3A_35 = tpu.memref_slice %arg10[%add3A_32, %dma_start3A_34] : memref<10240x64xf32, #tpu.memory_space<vmem_shared>> -> memref<128x64xf32, #tpu.memory_space<vmem_shared>>
        tpu.enqueue_dma source(%arg8 : memref<128x64xf32, #tpu.memory_space<vmem>>) target(%dma_start3A_35 : memref<128x64xf32, #tpu.memory_space<vmem_shared>>) target_semaphore(%run_scoped3A : memref<!tpu.dma_semaphore, #tpu.memory_space<semaphore_mem>>)
        %dma_wait3A = arith.constant 0 : i32
        %dma_wait3A_36 = tpu.memref_slice %arg10[%add3A_32, %dma_wait3A] : memref<10240x64xf32, #tpu.memory_space<vmem_shared>> -> memref<128x64xf32, #tpu.memory_space<vmem_shared>>
        %dma_wait3A_37 = arith.constant 0 : i32
        %dma_wait3A_38 = tpu.memref_slice %arg10[%add3A_32, %dma_wait3A_37] : memref<10240x64xf32, #tpu.memory_space<vmem_shared>> -> memref<128x64xf32, #tpu.memory_space<vmem_shared>>
        tpu.wait_dma2 semaphore(%run_scoped3A : memref<!tpu.dma_semaphore, #tpu.memory_space<semaphore_mem>>) src(%arg8 : memref<128x64xf32, #tpu.memory_space<vmem>>) dst(%dma_wait3A_38 : memref<128x64xf32, #tpu.memory_space<vmem_shared>>)
        tpu.yield
      }) : () -> ()
    }
    %scan3A_10 = arith.constant 5 : i32
    %mul3A = arith.constant 2560 : i32
    %mul3A_11 = arith.muli %arg0, %mul3A : i32
    %mul3A_12 = arith.constant 160 : i32
    %mul3A_13 = arith.muli %arg1, %mul3A_12 : i32
    %add3A = arith.addi %mul3A_11, %mul3A_13 : i32
    "tpu.region"() ({
      %run_scoped3A = tpu.sem_alloc : memref<!tpu.dma_semaphore, #tpu.memory_space<semaphore_mem>>
      %dma_start3A = arith.constant 0 : i32
      %dma_start3A_27 = tpu.memref_slice %arg3[%add3A, %dma_start3A] : memref<5120x128xi32, #tpu.memory_space<hbm>> -> memref<160x128xi32, #tpu.memory_space<hbm>>
      %dma_start3A_28 = arith.constant 0 : i32
      %dma_start3A_29 = tpu.memref_slice %arg3[%add3A, %dma_start3A_28] : memref<5120x128xi32, #tpu.memory_space<hbm>> -> memref<160x128xi32, #tpu.memory_space<hbm>>
      tpu.enqueue_dma source(%dma_start3A_29 : memref<160x128xi32, #tpu.memory_space<hbm>>) target(%arg6 : memref<160x128xi32, #tpu.memory_space<vmem>>) target_semaphore(%run_scoped3A : memref<!tpu.dma_semaphore, #tpu.memory_space<semaphore_mem>>)
      %dma_wait3A = arith.constant 0 : i32
      %dma_wait3A_30 = tpu.memref_slice %arg3[%add3A, %dma_wait3A] : memref<5120x128xi32, #tpu.memory_space<hbm>> -> memref<160x128xi32, #tpu.memory_space<hbm>>
      %dma_wait3A_31 = arith.constant 0 : i32
      %dma_wait3A_32 = tpu.memref_slice %arg3[%add3A, %dma_wait3A_31] : memref<5120x128xi32, #tpu.memory_space<hbm>> -> memref<160x128xi32, #tpu.memory_space<hbm>>
      tpu.wait_dma2 semaphore(%run_scoped3A : memref<!tpu.dma_semaphore, #tpu.memory_space<semaphore_mem>>) src(%dma_wait3A_32 : memref<160x128xi32, #tpu.memory_space<hbm>>) dst(%arg6 : memref<160x128xi32, #tpu.memory_space<vmem>>)
      tpu.yield
    }) : () -> ()
    %mul3A_14 = arith.constant 160 : i32
    %mul3A_15 = arith.muli %arg1, %mul3A_14 : i32
    "tpu.region"() ({
      %run_scoped3A = tpu.sem_alloc : memref<!tpu.dma_semaphore, #tpu.memory_space<semaphore_mem>>
      %dma_start3A = arith.constant 0 : i32
      %dma_start3A_27 = tpu.memref_slice %arg4[%mul3A_15, %dma_start3A] : memref<2560x128xi32, #tpu.memory_space<hbm>> -> memref<160x128xi32, #tpu.memory_space<hbm>>
      %dma_start3A_28 = arith.constant 0 : i32
      %dma_start3A_29 = tpu.memref_slice %arg4[%mul3A_15, %dma_start3A_28] : memref<2560x128xi32, #tpu.memory_space<hbm>> -> memref<160x128xi32, #tpu.memory_space<hbm>>
      tpu.enqueue_dma source(%dma_start3A_29 : memref<160x128xi32, #tpu.memory_space<hbm>>) target(%arg7 : memref<160x128xi32, #tpu.memory_space<vmem>>) target_semaphore(%run_scoped3A : memref<!tpu.dma_semaphore, #tpu.memory_space<semaphore_mem>>)
      %dma_wait3A = arith.constant 0 : i32
      %dma_wait3A_30 = tpu.memref_slice %arg4[%mul3A_15, %dma_wait3A] : memref<2560x128xi32, #tpu.memory_space<hbm>> -> memref<160x128xi32, #tpu.memory_space<hbm>>
      %dma_wait3A_31 = arith.constant 0 : i32
      %dma_wait3A_32 = tpu.memref_slice %arg4[%mul3A_15, %dma_wait3A_31] : memref<2560x128xi32, #tpu.memory_space<hbm>> -> memref<160x128xi32, #tpu.memory_space<hbm>>
      tpu.wait_dma2 semaphore(%run_scoped3A : memref<!tpu.dma_semaphore, #tpu.memory_space<semaphore_mem>>) src(%dma_wait3A_32 : memref<160x128xi32, #tpu.memory_space<hbm>>) dst(%arg7 : memref<160x128xi32, #tpu.memory_space<vmem>>)
      tpu.yield
    }) : () -> ()
    %barrier3A = arith.constant 0 : index
    tpu.barrier barrier_id(%barrier3A)
    %scan3A_16 = arith.constant 0 : i32
    %scan3A_17 = arith.constant 0 : i32
    %scan3A_18 = arith.constant 160 : i32
    %scan3A_19 = arith.addi %scan3A_17, %scan3A_18 : i32
    %scan3A_20 = arith.constant 1 : i32
    scf.for %scan3A_27 = %scan3A_17 to %scan3A_19 step %scan3A_20  : i32 {
      %dma_start3A = arith.constant 0 : i32
      %dma_start3A_28 = tpu.memref_slice %arg6[%scan3A_27, %dma_start3A] : memref<160x128xi32, #tpu.memory_space<vmem>> -> memref<1x128xi32, #tpu.memory_space<vmem>>
      %dma_start3A_29 = tpu.memref_squeeze %dma_start3A_28 : memref<1x128xi32, #tpu.memory_space<vmem>> -> memref<128xi32, #tpu.memory_space<vmem>>
      %dma_start3A_30 = arith.constant 0 : i32
      %dma_start3A_31 = arith.constant 0 : i32
      %dma_start3A_32 = tpu.memref_slice %arg2[%dma_start3A_30, %dma_start3A_31] : memref<1331200x64xf32, #tpu.memory_space<hbm>> -> memref<1331200x64xf32, #tpu.memory_space<hbm>>
      tpu.enqueue_indirect_dma source(%dma_start3A_32 : memref<1331200x64xf32, #tpu.memory_space<hbm>>) target(%arg8 : memref<128x64xf32, #tpu.memory_space<vmem>>) offsets(%dma_start3A_29 : memref<128xi32, #tpu.memory_space<vmem>>) semaphore(%arg11 : memref<!tpu.dma_semaphore, #tpu.memory_space<semaphore_mem>>)
      %dma_wait3A = arith.constant 0 : i32
      %dma_wait3A_33 = tpu.memref_slice %arg6[%scan3A_27, %dma_wait3A] : memref<160x128xi32, #tpu.memory_space<vmem>> -> memref<1x128xi32, #tpu.memory_space<vmem>>
      %dma_wait3A_34 = tpu.memref_squeeze %dma_wait3A_33 : memref<1x128xi32, #tpu.memory_space<vmem>> -> memref<128xi32, #tpu.memory_space<vmem>>
      %dma_wait3A_35 = arith.constant 0 : i32
      %dma_wait3A_36 = arith.constant 0 : i32
      %dma_wait3A_37 = tpu.memref_slice %arg2[%dma_wait3A_35, %dma_wait3A_36] : memref<1331200x64xf32, #tpu.memory_space<hbm>> -> memref<1331200x64xf32, #tpu.memory_space<hbm>>
      tpu.wait_indirect_dma semaphore(%arg11 : memref<!tpu.dma_semaphore, #tpu.memory_space<semaphore_mem>>) src(%dma_wait3A_37 : memref<1331200x64xf32, #tpu.memory_space<hbm>>) dst(%arg8 : memref<128x64xf32, #tpu.memory_space<vmem>>)
      "tpu.region"() ({
        %run_scoped3A = tpu.sem_alloc : memref<!tpu.dma_semaphore, #tpu.memory_space<semaphore_mem>>
        %dma_start3A_38 = arith.constant 0 : i32
        %dma_start3A_39 = tpu.memref_slice %arg7[%scan3A_27, %dma_start3A_38] : memref<160x128xi32, #tpu.memory_space<vmem>> -> memref<1x128xi32, #tpu.memory_space<vmem>>
        %dma_start3A_40 = tpu.memref_squeeze %dma_start3A_39 : memref<1x128xi32, #tpu.memory_space<vmem>> -> memref<128xi32, #tpu.memory_space<vmem>>
        %dma_start3A_41 = arith.constant 0 : i32
        %dma_start3A_42 = arith.constant 0 : i32
        %dma_start3A_43 = tpu.memref_slice %arg10[%dma_start3A_41, %dma_start3A_42] : memref<10240x64xf32, #tpu.memory_space<vmem_shared>> -> memref<10240x64xf32, #tpu.memory_space<vmem_shared>>
        tpu.enqueue_indirect_dma source(%arg8 : memref<128x64xf32, #tpu.memory_space<vmem>>) target(%dma_start3A_43 : memref<10240x64xf32, #tpu.memory_space<vmem_shared>>) offsets(%dma_start3A_40 : memref<128xi32, #tpu.memory_space<vmem>>) semaphore(%run_scoped3A : memref<!tpu.dma_semaphore, #tpu.memory_space<semaphore_mem>>) {add = true}
        %dma_wait3A_44 = arith.constant 0 : i32
        %dma_wait3A_45 = tpu.memref_slice %arg7[%scan3A_27, %dma_wait3A_44] : memref<160x128xi32, #tpu.memory_space<vmem>> -> memref<1x128xi32, #tpu.memory_space<vmem>>
        %dma_wait3A_46 = tpu.memref_squeeze %dma_wait3A_45 : memref<1x128xi32, #tpu.memory_space<vmem>> -> memref<128xi32, #tpu.memory_space<vmem>>
        %dma_wait3A_47 = arith.constant 0 : i32
        %dma_wait3A_48 = arith.constant 0 : i32
        %dma_wait3A_49 = tpu.memref_slice %arg10[%dma_wait3A_47, %dma_wait3A_48] : memref<10240x64xf32, #tpu.memory_space<vmem_shared>> -> memref<10240x64xf32, #tpu.memory_space<vmem_shared>>
        tpu.wait_indirect_dma semaphore(%run_scoped3A : memref<!tpu.dma_semaphore, #tpu.memory_space<semaphore_mem>>) src(%arg8 : memref<128x64xf32, #tpu.memory_space<vmem>>) dst(%dma_wait3A_49 : memref<10240x64xf32, #tpu.memory_space<vmem_shared>>)
        tpu.yield
      }) : () -> ()
    }
    %scan3A_21 = arith.constant 160 : i32
    %barrier3A_22 = arith.constant 0 : index
    tpu.barrier barrier_id(%barrier3A_22)
    %mul3A_23 = arith.constant 640 : i32
    %mul3A_24 = arith.muli %arg1, %mul3A_23 : i32
    %mul3A_25 = arith.constant 640 : i32
    %mul3A_26 = arith.muli %arg1, %mul3A_25 : i32
    "tpu.region"() ({
      %run_scoped3A = tpu.sem_alloc : memref<!tpu.dma_semaphore, #tpu.memory_space<semaphore_mem>>
      %dma_start3A = arith.constant 0 : i32
      %dma_start3A_27 = tpu.memref_slice %arg5[%arg0, %mul3A_26, %dma_start3A] : memref<2x10240x64xf32, #tpu.memory_space<hbm>> -> memref<1x640x64xf32, #tpu.memory_space<hbm>>
      %dma_start3A_28 = tpu.memref_squeeze %dma_start3A_27 : memref<1x640x64xf32, #tpu.memory_space<hbm>> -> memref<640x64xf32, #tpu.memory_space<hbm>>
      %dma_start3A_29 = arith.constant 0 : i32
      %dma_start3A_30 = tpu.memref_slice %arg10[%mul3A_24, %dma_start3A_29] : memref<10240x64xf32, #tpu.memory_space<vmem_shared>> -> memref<640x64xf32, #tpu.memory_space<vmem_shared>>
      tpu.enqueue_dma source(%dma_start3A_30 : memref<640x64xf32, #tpu.memory_space<vmem_shared>>) target(%dma_start3A_28 : memref<640x64xf32, #tpu.memory_space<hbm>>) target_semaphore(%run_scoped3A : memref<!tpu.dma_semaphore, #tpu.memory_space<semaphore_mem>>)
      %dma_wait3A = arith.constant 0 : i32
      %dma_wait3A_31 = tpu.memref_slice %arg5[%arg0, %mul3A_26, %dma_wait3A] : memref<2x10240x64xf32, #tpu.memory_space<hbm>> -> memref<1x640x64xf32, #tpu.memory_space<hbm>>
      %dma_wait3A_32 = tpu.memref_squeeze %dma_wait3A_31 : memref<1x640x64xf32, #tpu.memory_space<hbm>> -> memref<640x64xf32, #tpu.memory_space<hbm>>
      %dma_wait3A_33 = arith.constant 0 : i32
      %dma_wait3A_34 = tpu.memref_slice %arg10[%mul3A_24, %dma_wait3A_33] : memref<10240x64xf32, #tpu.memory_space<vmem_shared>> -> memref<640x64xf32, #tpu.memory_space<vmem_shared>>
      tpu.wait_dma2 semaphore(%run_scoped3A : memref<!tpu.dma_semaphore, #tpu.memory_space<semaphore_mem>>) src(%dma_wait3A_34 : memref<640x64xf32, #tpu.memory_space<vmem_shared>>) dst(%dma_wait3A_32 : memref<640x64xf32, #tpu.memory_space<hbm>>)
      tpu.yield
    }) : () -> ()
    return
  }
}

module attributes {stable_mosaic.version = 14 : i64} {
  func.func @_mm_body(%arg0: i32, %arg1: i32, %arg2: memref<512x128xf32, #tpu.memory_space<vmem>>, %arg3: memref<128x640xf32, #tpu.memory_space<vmem>>, %arg4: memref<512x640xf32, #tpu.memory_space<vmem>>) attributes {dimension_semantics = [#tpu.dimension_semantics<arbitrary>, #tpu.dimension_semantics<arbitrary>], iteration_bounds = array<i64: 13, 20>, scalar_prefetch = 0 : i64, scratch_operands = 0 : i64, tpu.core_type = #tpu.core_type<tc>, window_params = [{transform_indices = @transform_0, window_bounds = array<i64: 512, 128>}, {transform_indices = @transform_1, window_bounds = array<i64: 128, 640>}, {transform_indices = @transform_2, window_bounds = array<i64: 512, 640>}]} {
    %get3A = arith.constant 0 : index
    %get3A_0 = arith.constant 0 : index
    %get3A_1 = vector.load %arg2[%get3A, %get3A_0] : memref<512x128xf32, #tpu.memory_space<vmem>>, vector<512x128xf32>
    %get3A_2 = arith.constant 0 : index
    %get3A_3 = arith.constant 0 : index
    %get3A_4 = vector.load %arg3[%get3A_2, %get3A_3] : memref<128x640xf32, #tpu.memory_space<vmem>>, vector<128x640xf32>
    %convert_element_type3A = arith.truncf %get3A_1 : vector<512x128xf32> to vector<512x128xbf16>
    %convert_element_type3A_5 = arith.truncf %get3A_4 : vector<128x640xf32> to vector<128x640xbf16>
    %dot_general3A = arith.constant dense<0.000000e+00> : vector<512x640xf32>
    %dot_general3A_6 = tpu.matmul %convert_element_type3A, %convert_element_type3A_5, %dot_general3A {dimension_numbers = #tpu.dot_dimension_numbers<[1], [0], [0], [1], [0, 0, 1, 1], [], []>, transpose_lhs_hint = false} : vector<512x128xbf16>, vector<128x640xbf16>, vector<512x640xf32> -> vector<512x640xf32>
    %swap3A = arith.constant 0 : index
    %swap3A_7 = arith.constant 0 : index
    %swap3A_8 = vector.load %arg4[%swap3A, %swap3A_7] : memref<512x640xf32, #tpu.memory_space<vmem>>, vector<512x640xf32>
    tpu.vector_store %arg4[%swap3A, %swap3A_7], %dot_general3A_6 {strides = array<i32>} : memref<512x640xf32, #tpu.memory_space<vmem>>, vector<512x640xf32>,
    return
  }
  func.func @transform_0(%arg0: i32, %arg1: i32) -> (i32, i32) {
    %c0_i32 = arith.constant 0 : i32
    %c0_i32_0 = arith.constant 0 : i32
    return %arg1, %c0_i32 : i32, i32
  }
  func.func @transform_1(%arg0: i32, %arg1: i32) -> (i32, i32) {
    %c0_i32 = arith.constant 0 : i32
    %c0_i32_0 = arith.constant 0 : i32
    return %c0_i32, %arg0 : i32, i32
  }
  func.func @transform_2(%arg0: i32, %arg1: i32) -> (i32, i32) {
    %c0_i32 = arith.constant 0 : i32
    return %arg1, %arg0 : i32, i32
  }
}

module attributes {stable_mosaic.version = 14 : i64} {
  func.func @_post_body(%arg0: i32, %arg1: memref<2x512x64xf32, #tpu.memory_space<vmem>>, %arg2: memref<512x128xf32, #tpu.memory_space<vmem>>, %arg3: memref<128x128xf32, #tpu.memory_space<vmem>>, %arg4: memref<128x128xf32, #tpu.memory_space<vmem>>, %arg5: memref<1x128xf32, #tpu.memory_space<vmem>>, %arg6: memref<1x128xf32, #tpu.memory_space<vmem>>, %arg7: memref<1x128xf32, #tpu.memory_space<vmem>>, %arg8: memref<1x128xf32, #tpu.memory_space<vmem>>, %arg9: memref<512x128xf32, #tpu.memory_space<vmem>>) attributes {dimension_semantics = [#tpu.dimension_semantics<arbitrary>], iteration_bounds = array<i64: 20>, scalar_prefetch = 0 : i64, scratch_operands = 0 : i64, tpu.core_type = #tpu.core_type<tc>, window_params = [{transform_indices = @transform_0, window_bounds = array<i64: 2, 512, 64>}, {transform_indices = @transform_1, window_bounds = array<i64: 512, 128>}, {pipeline_mode = #tpu.pipeline_mode<synchronous>, transform_indices = @transform_2, window_bounds = array<i64: 128, 128>}, {pipeline_mode = #tpu.pipeline_mode<synchronous>, transform_indices = @transform_3, window_bounds = array<i64: 128, 128>}, {pipeline_mode = #tpu.pipeline_mode<synchronous>, transform_indices = @transform_4, window_bounds = array<i64: 1, 128>}, {pipeline_mode = #tpu.pipeline_mode<synchronous>, transform_indices = @transform_5, window_bounds = array<i64: 1, 128>}, {pipeline_mode = #tpu.pipeline_mode<synchronous>, transform_indices = @transform_6, window_bounds = array<i64: 1, 128>}, {pipeline_mode = #tpu.pipeline_mode<synchronous>, transform_indices = @transform_7, window_bounds = array<i64: 1, 128>}, {transform_indices = @transform_8, window_bounds = array<i64: 512, 128>}]} {
    %get3A = arith.constant 0 : index
    %get3A_0 = arith.constant 0 : index
    %get3A_1 = vector.load %arg2[%get3A, %get3A_0] : memref<512x128xf32, #tpu.memory_space<vmem>>, vector<512x128xf32>
    %get3A_2 = arith.constant 0 : index
    %get3A_3 = arith.constant 0 : index
    %get3A_4 = arith.constant 0 : index
    %get3A_5 = vector.load %arg1[%get3A_2, %get3A_3, %get3A_4] : memref<2x512x64xf32, #tpu.memory_space<vmem>>, vector<1x512x64xf32>
    %get3A_6 = vector.shape_cast %get3A_5 : vector<1x512x64xf32> to vector<512x64xf32>
    %get3A_7 = arith.constant 1 : index
    %get3A_8 = arith.constant 0 : index
    %get3A_9 = arith.constant 0 : index
    %get3A_10 = vector.load %arg1[%get3A_7, %get3A_8, %get3A_9] : memref<2x512x64xf32, #tpu.memory_space<vmem>>, vector<1x512x64xf32>
    %get3A_11 = vector.shape_cast %get3A_10 : vector<1x512x64xf32> to vector<512x64xf32>
    %concatenate3A = tpu.concatenate %get3A_6, %get3A_11 in 1 : vector<512x64xf32>, vector<512x64xf32> -> vector<512x128xf32>
    %get3A_12 = arith.constant 0 : index
    %get3A_13 = arith.constant 0 : index
    %get3A_14 = vector.load %arg5[%get3A_12, %get3A_13] : memref<1x128xf32, #tpu.memory_space<vmem>>, vector<1x128xf32>
    %add3A = vector.broadcast %get3A_14 : vector<1x128xf32> to vector<512x128xf32>
    %add3A_15 = arith.addf %concatenate3A, %add3A : vector<512x128xf32>
    %get3A_16 = arith.constant 0 : index
    %get3A_17 = arith.constant 0 : index
    %get3A_18 = vector.load %arg3[%get3A_16, %get3A_17] : memref<128x128xf32, #tpu.memory_space<vmem>>, vector<128x128xf32>
    %convert_element_type3A = arith.truncf %get3A_1 : vector<512x128xf32> to vector<512x128xbf16>
    %convert_element_type3A_19 = arith.truncf %get3A_18 : vector<128x128xf32> to vector<128x128xbf16>
    %dot_general3A = arith.constant dense<0.000000e+00> : vector<512x128xf32>
    %dot_general3A_20 = tpu.matmul %convert_element_type3A, %convert_element_type3A_19, %dot_general3A {dimension_numbers = #tpu.dot_dimension_numbers<[1], [0], [0], [1], [0, 0, 1, 1], [], []>, transpose_lhs_hint = false} : vector<512x128xbf16>, vector<128x128xbf16>, vector<512x128xf32> -> vector<512x128xf32>
    %add3A_21 = arith.addf %add3A_15, %dot_general3A_20 : vector<512x128xf32>
    %max3A = arith.constant 0.000000e+00 : f32
    %max3A_22 = vector.broadcast %max3A : f32 to vector<512x128xf32>
    %max3A_23 = arith.maximumf %add3A_21, %max3A_22 : vector<512x128xf32>
    %get3A_24 = arith.constant 0 : index
    %get3A_25 = arith.constant 0 : index
    %get3A_26 = vector.load %arg4[%get3A_24, %get3A_25] : memref<128x128xf32, #tpu.memory_space<vmem>>, vector<128x128xf32>
    %convert_element_type3A_27 = arith.truncf %get3A_1 : vector<512x128xf32> to vector<512x128xbf16>
    %convert_element_type3A_28 = arith.truncf %get3A_26 : vector<128x128xf32> to vector<128x128xbf16>
    %dot_general3A_29 = arith.constant dense<0.000000e+00> : vector<512x128xf32>
    %dot_general3A_30 = tpu.matmul %convert_element_type3A_27, %convert_element_type3A_28, %dot_general3A_29 {dimension_numbers = #tpu.dot_dimension_numbers<[1], [0], [0], [1], [0, 0, 1, 1], [], []>, transpose_lhs_hint = false} : vector<512x128xbf16>, vector<128x128xbf16>, vector<512x128xf32> -> vector<512x128xf32>
    %get3A_31 = arith.constant 0 : index
    %get3A_32 = arith.constant 0 : index
    %get3A_33 = vector.load %arg6[%get3A_31, %get3A_32] : memref<1x128xf32, #tpu.memory_space<vmem>>, vector<1x128xf32>
    %add3A_34 = vector.broadcast %get3A_33 : vector<1x128xf32> to vector<512x128xf32>
    %add3A_35 = arith.addf %dot_general3A_30, %add3A_34 : vector<512x128xf32>
    %max3A_36 = arith.constant 0.000000e+00 : f32
    %max3A_37 = vector.broadcast %max3A_36 : f32 to vector<512x128xf32>
    %max3A_38 = arith.maximumf %add3A_35, %max3A_37 : vector<512x128xf32>
    %add3A_39 = arith.addf %max3A_23, %max3A_38 : vector<512x128xf32>
    %get3A_40 = arith.constant 0 : index
    %get3A_41 = arith.constant 0 : index
    %get3A_42 = vector.load %arg7[%get3A_40, %get3A_41] : memref<1x128xf32, #tpu.memory_space<vmem>>, vector<1x128xf32>
    %sqrt3A = arith.constant 1.000010e+00 : f32
    %sqrt3A_43 = math.sqrt %sqrt3A : f32
    %div3A = arith.constant 1.000000e+00 : f32
    %div3A_44 = arith.divf %div3A, %sqrt3A_43 : f32
    %mul3A = vector.broadcast %div3A_44 : f32 to vector<1x128xf32>
    %mul3A_45 = arith.mulf %get3A_42, %mul3A : vector<1x128xf32>
    %mul3A_46 = vector.broadcast %mul3A_45 : vector<1x128xf32> to vector<512x128xf32>
    %mul3A_47 = arith.mulf %add3A_39, %mul3A_46 : vector<512x128xf32>
    %get3A_48 = arith.constant 0 : index
    %get3A_49 = arith.constant 0 : index
    %get3A_50 = vector.load %arg8[%get3A_48, %get3A_49] : memref<1x128xf32, #tpu.memory_space<vmem>>, vector<1x128xf32>
    %add3A_51 = vector.broadcast %get3A_50 : vector<1x128xf32> to vector<512x128xf32>
    %add3A_52 = arith.addf %mul3A_47, %add3A_51 : vector<512x128xf32>
    %swap3A = arith.constant 0 : index
    %swap3A_53 = arith.constant 0 : index
    %swap3A_54 = vector.load %arg9[%swap3A, %swap3A_53] : memref<512x128xf32, #tpu.memory_space<vmem>>, vector<512x128xf32>
    tpu.vector_store %arg9[%swap3A, %swap3A_53], %add3A_52 {strides = array<i32>} : memref<512x128xf32, #tpu.memory_space<vmem>>, vector<512x128xf32>,
    return
  }
  func.func @transform_0(%arg0: i32) -> (i32, i32, i32) {
    %c0_i32 = arith.constant 0 : i32
    %c0_i32_0 = arith.constant 0 : i32
    %c0_i32_1 = arith.constant 0 : i32
    return %c0_i32, %arg0, %c0_i32_0 : i32, i32, i32
  }
  func.func @transform_1(%arg0: i32) -> (i32, i32) {
    %c0_i32 = arith.constant 0 : i32
    %c0_i32_0 = arith.constant 0 : i32
    return %arg0, %c0_i32 : i32, i32
  }
  func.func @transform_2(%arg0: i32) -> (i32, i32) {
    %c0_i32 = arith.constant 0 : i32
    %c0_i32_0 = arith.constant 0 : i32
    %c0_i32_1 = arith.constant 0 : i32
    return %c0_i32, %c0_i32_0 : i32, i32
  }
  func.func @transform_3(%arg0: i32) -> (i32, i32) {
    %c0_i32 = arith.constant 0 : i32
    %c0_i32_0 = arith.constant 0 : i32
    %c0_i32_1 = arith.constant 0 : i32
    return %c0_i32, %c0_i32_0 : i32, i32
  }
  func.func @transform_4(%arg0: i32) -> (i32, i32) {
    %c0_i32 = arith.constant 0 : i32
    %c0_i32_0 = arith.constant 0 : i32
    %c0_i32_1 = arith.constant 0 : i32
    return %c0_i32, %c0_i32_0 : i32, i32
  }
  func.func @transform_5(%arg0: i32) -> (i32, i32) {
    %c0_i32 = arith.constant 0 : i32
    %c0_i32_0 = arith.constant 0 : i32
    %c0_i32_1 = arith.constant 0 : i32
    return %c0_i32, %c0_i32_0 : i32, i32
  }
  func.func @transform_6(%arg0: i32) -> (i32, i32) {
    %c0_i32 = arith.constant 0 : i32
    %c0_i32_0 = arith.constant 0 : i32
    %c0_i32_1 = arith.constant 0 : i32
    return %c0_i32, %c0_i32_0 : i32, i32
  }
  func.func @transform_7(%arg0: i32) -> (i32, i32) {
    %c0_i32 = arith.constant 0 : i32
    %c0_i32_0 = arith.constant 0 : i32
    %c0_i32_1 = arith.constant 0 : i32
    return %c0_i32, %c0_i32_0 : i32, i32
  }
  func.func @transform_8(%arg0: i32) -> (i32, i32) {
    %c0_i32 = arith.constant 0 : i32
    %c0_i32_0 = arith.constant 0 : i32
    return %arg0, %c0_i32 : i32, i32
  }
}

module attributes {stable_mosaic.version = 14 : i64} {
  func.func @_readout_body(%arg0: i32, %arg1: memref<512x128xf32, #tpu.memory_space<vmem>>, %arg2: memref<1x1x512xi32, #tpu.memory_space<vmem>>, %arg3: memref<512x1xf32, #tpu.memory_space<vmem>>, %arg4: memref<128x128xf32, #tpu.memory_space<vmem>>, %arg5: memref<1x1xf32, #tpu.memory_space<vmem>>, %arg6: memref<512x1xf32, #tpu.memory_space<vmem>>, %arg7: memref<256x128xf32, #tpu.memory_space<vmem>>) attributes {dimension_semantics = [#tpu.dimension_semantics<arbitrary>], iteration_bounds = array<i64: 20>, scalar_prefetch = 0 : i64, scratch_operands = 0 : i64, tpu.core_type = #tpu.core_type<tc>, window_params = [{transform_indices = @transform_0, window_bounds = array<i64: 512, 128>}, {transform_indices = @transform_1, window_bounds = array<i64: 1, 1, 512>}, {transform_indices = @transform_2, window_bounds = array<i64: 512, 1>}, {pipeline_mode = #tpu.pipeline_mode<synchronous>, transform_indices = @transform_3, window_bounds = array<i64: 128, 128>}, {pipeline_mode = #tpu.pipeline_mode<synchronous>, transform_indices = @transform_4, window_bounds = array<i64: 1, 1>}, {transform_indices = @transform_5, window_bounds = array<i64: 512, 1>}, {pipeline_mode = #tpu.pipeline_mode<synchronous>, transform_indices = @transform_6, window_bounds = array<i64: 256, 128>}]} {
    %get3A = arith.constant 0 : index
    %get3A_0 = arith.constant 0 : index
    %get3A_1 = vector.load %arg1[%get3A, %get3A_0] : memref<512x128xf32, #tpu.memory_space<vmem>>, vector<512x128xf32>
    %get3A_2 = arith.constant 0 : index
    %get3A_3 = arith.constant 0 : index
    %get3A_4 = vector.load %arg4[%get3A_2, %get3A_3] : memref<128x128xf32, #tpu.memory_space<vmem>>, vector<128x128xf32>
    %convert_element_type3A = arith.truncf %get3A_1 : vector<512x128xf32> to vector<512x128xbf16>
    %convert_element_type3A_5 = arith.truncf %get3A_4 : vector<128x128xf32> to vector<128x128xbf16>
    %dot_general3A = arith.constant dense<0.000000e+00> : vector<512x128xf32>
    %dot_general3A_6 = tpu.matmul %convert_element_type3A, %convert_element_type3A_5, %dot_general3A {dimension_numbers = #tpu.dot_dimension_numbers<[1], [0], [0], [1], [0, 0, 1, 1], [], []>, transpose_lhs_hint = false} : vector<512x128xbf16>, vector<128x128xbf16>, vector<512x128xf32> -> vector<512x128xf32>
    %iota3A = tpu.iota {dimensions = array<i32: 1>} : vector<512x128xi32>
    %eq3A = arith.constant 0 : i32
    %eq3A_7 = vector.broadcast %eq3A : i32 to vector<512x128xi32>
    %eq3A_8 = arith.cmpi eq, %iota3A, %eq3A_7 : vector<512x128xi32>
    %jit3A = arith.constant 0.000000e+00 : f32
    %broadcast_in_dim3A = vector.broadcast %jit3A : f32 to vector<512x128xf32>
    %select_n3A = arith.select %eq3A_8, %dot_general3A_6, %broadcast_in_dim3A : vector<512x128xi1>, vector<512x128xf32>
    %reduce_sum3A = arith.constant dense<0.000000e+00> : vector<512xf32>
    %reduce_sum3A_9 = vector.multi_reduction <add>, %select_n3A, %reduce_sum3A [1] : vector<512x128xf32> to vector<512xf32>
    %broadcast_in_dim3A_10 = vector.shape_cast %reduce_sum3A_9 : vector<512xf32> to vector<512x1xf32>
    %get3A_11 = arith.constant 0 : index
    %get3A_12 = arith.constant 0 : index
    %get3A_13 = vector.load %arg5[%get3A_11, %get3A_12] : memref<1x1xf32, #tpu.memory_space<vmem>>, vector<1x1xf32>
    %get3A_14 = vector.extract %get3A_13[0, 0] : f32 from vector<1x1xf32>
    %add3A = vector.broadcast %get3A_14 : f32 to vector<512x1xf32>
    %add3A_15 = arith.addf %broadcast_in_dim3A_10, %add3A : vector<512x1xf32>
    %logistic3A = arith.negf %add3A_15 : vector<512x1xf32>
    %logistic3A_16 = math.exp %logistic3A : vector<512x1xf32>
    %logistic3A_17 = arith.constant 1.000000e+00 : f32
    %logistic3A_18 = vector.broadcast %logistic3A_17 : f32 to vector<512x1xf32>
    %logistic3A_19 = arith.addf %logistic3A_18, %logistic3A_16 : vector<512x1xf32>
    %logistic3A_20 = arith.divf %logistic3A_18, %logistic3A_19 : vector<512x1xf32>
    %get3A_21 = arith.constant 0 : index
    %get3A_22 = arith.constant 0 : index
    %get3A_23 = vector.load %arg3[%get3A_21, %get3A_22] : memref<512x1xf32, #tpu.memory_space<vmem>>, vector<512x1xf32>
    %mul3A = arith.mulf %logistic3A_20, %get3A_23 : vector<512x1xf32>
    %swap3A = arith.constant 0 : index
    %swap3A_24 = arith.constant 0 : index
    %swap3A_25 = vector.load %arg6[%swap3A, %swap3A_24] : memref<512x1xf32, #tpu.memory_space<vmem>>, vector<512x1xf32>
    tpu.vector_store %arg6[%swap3A, %swap3A_24], %mul3A {strides = array<i32>} : memref<512x1xf32, #tpu.memory_space<vmem>>, vector<512x1xf32>,
    %mul3A_26 = vector.broadcast %mul3A : vector<512x1xf32> to vector<512x128xf32>
    %mul3A_27 = arith.mulf %get3A_1, %mul3A_26 : vector<512x128xf32>
    %get3A_28 = arith.constant 0 : index
    %get3A_29 = arith.constant 0 : index
    %get3A_30 = arith.constant 0 : index
    %get3A_31 = vector.load %arg2[%get3A_28, %get3A_29, %get3A_30] : memref<1x1x512xi32, #tpu.memory_space<vmem>>, vector<1x1x512xi32>
    %get3A_32 = vector.shape_cast %get3A_31 : vector<1x1x512xi32> to vector<512xi32>
    %broadcast_in_dim3A_33 = vector.shape_cast %get3A_32 : vector<512xi32> to vector<512x1xi32>
    %iota3A_34 = tpu.iota {dimensions = array<i32: 1>} : vector<512x256xi32>
    %eq3A_35 = vector.broadcast %broadcast_in_dim3A_33 : vector<512x1xi32> to vector<512x256xi32>
    %eq3A_36 = arith.cmpi eq, %eq3A_35, %iota3A_34 : vector<512x256xi32>
    %convert_element_type3A_37 = arith.extui %eq3A_36 : vector<512x256xi1> to vector<512x256xi32>
    %convert_element_type3A_38 = arith.sitofp %convert_element_type3A_37 : vector<512x256xi32> to vector<512x256xf32>
    %dot_general3A_39 = arith.constant dense<0.000000e+00> : vector<256x128xf32>
    %dot_general3A_40 = tpu.matmul %convert_element_type3A_38, %mul3A_27, %dot_general3A_39 {dimension_numbers = #tpu.dot_dimension_numbers<[0], [0], [1], [1], [0, 1, 1, 1], [], []>, precision = #tpu.contract_precision<fp32>, transpose_lhs_hint = false} : vector<512x256xf32>, vector<512x128xf32>, vector<256x128xf32> -> vector<256x128xf32>
    %eq3A_41 = arith.constant 0 : i32
    %eq3A_42 = arith.cmpi eq, %arg0, %eq3A_41 : i32
    %convert_element_type3A_43 = arith.extui %eq3A_42 : i1 to i32
    %cond3A = arith.constant 0 : i32
    %cond3A_44 = arith.cmpi ne, %convert_element_type3A_43, %cond3A : i32
    scf.if %cond3A_44 {
      %swap3A_49 = arith.constant 0 : index
      %swap3A_50 = arith.constant 0 : index
      %swap3A_51 = vector.load %arg7[%swap3A_49, %swap3A_50] : memref<256x128xf32, #tpu.memory_space<vmem>>, vector<256x128xf32>
      tpu.vector_store %arg7[%swap3A_49, %swap3A_50], %dot_general3A_40 {strides = array<i32>} : memref<256x128xf32, #tpu.memory_space<vmem>>, vector<256x128xf32>,
    } else {
    }
    %gt3A = arith.constant 0 : i32
    %gt3A_45 = arith.cmpi sgt, %arg0, %gt3A : i32
    %convert_element_type3A_46 = arith.extui %gt3A_45 : i1 to i32
    %cond3A_47 = arith.constant 0 : i32
    %cond3A_48 = arith.cmpi ne, %convert_element_type3A_46, %cond3A_47 : i32
    scf.if %cond3A_48 {
      %get3A_49 = arith.constant 0 : index
      %get3A_50 = arith.constant 0 : index
      %get3A_51 = vector.load %arg7[%get3A_49, %get3A_50] : memref<256x128xf32, #tpu.memory_space<vmem>>, vector<256x128xf32>
      %add3A_52 = arith.addf %get3A_51, %dot_general3A_40 : vector<256x128xf32>
      %swap3A_53 = arith.constant 0 : index
      %swap3A_54 = arith.constant 0 : index
      %swap3A_55 = vector.load %arg7[%swap3A_53, %swap3A_54] : memref<256x128xf32, #tpu.memory_space<vmem>>, vector<256x128xf32>
      tpu.vector_store %arg7[%swap3A_53, %swap3A_54], %add3A_52 {strides = array<i32>} : memref<256x128xf32, #tpu.memory_space<vmem>>, vector<256x128xf32>,
    } else {
    }
    return
  }
  func.func @transform_0(%arg0: i32) -> (i32, i32) {
    %c0_i32 = arith.constant 0 : i32
    %c0_i32_0 = arith.constant 0 : i32
    return %arg0, %c0_i32 : i32, i32
  }
  func.func @transform_1(%arg0: i32) -> (i32, i32, i32) {
    %c0_i32 = arith.constant 0 : i32
    %c0_i32_0 = arith.constant 0 : i32
    %c0_i32_1 = arith.constant 0 : i32
    return %arg0, %c0_i32, %c0_i32_0 : i32, i32, i32
  }
  func.func @transform_2(%arg0: i32) -> (i32, i32) {
    %c0_i32 = arith.constant 0 : i32
    %c0_i32_0 = arith.constant 0 : i32
    return %arg0, %c0_i32 : i32, i32
  }
  func.func @transform_3(%arg0: i32) -> (i32, i32) {
    %c0_i32 = arith.constant 0 : i32
    %c0_i32_0 = arith.constant 0 : i32
    %c0_i32_1 = arith.constant 0 : i32
    return %c0_i32, %c0_i32_0 : i32, i32
  }
  func.func @transform_4(%arg0: i32) -> (i32, i32) {
    %c0_i32 = arith.constant 0 : i32
    %c0_i32_0 = arith.constant 0 : i32
    %c0_i32_1 = arith.constant 0 : i32
    return %c0_i32, %c0_i32_0 : i32, i32
  }
  func.func @transform_5(%arg0: i32) -> (i32, i32) {
    %c0_i32 = arith.constant 0 : i32
    %c0_i32_0 = arith.constant 0 : i32
    return %arg0, %c0_i32 : i32, i32
  }
  func.func @transform_6(%arg0: i32) -> (i32, i32) {
    %c0_i32 = arith.constant 0 : i32
    %c0_i32_0 = arith.constant 0 : i32
    %c0_i32_1 = arith.constant 0 : i32
    return %c0_i32, %c0_i32_0 : i32, i32
  }
}

module attributes {stable_mosaic.version = 14 : i64} {
  func.func @_ffn_body(%arg0: memref<256x128xf32, #tpu.memory_space<vmem>>, %arg1: memref<128x128xf32, #tpu.memory_space<vmem>>, %arg2: memref<1x128xf32, #tpu.memory_space<vmem>>, %arg3: memref<1x128xf32, #tpu.memory_space<vmem>>, %arg4: memref<1x128xf32, #tpu.memory_space<vmem>>, %arg5: memref<128x128xf32, #tpu.memory_space<vmem>>, %arg6: memref<1x128xf32, #tpu.memory_space<vmem>>, %arg7: memref<1x128xf32, #tpu.memory_space<vmem>>, %arg8: memref<1x128xf32, #tpu.memory_space<vmem>>, %arg9: memref<128x128xf32, #tpu.memory_space<vmem>>, %arg10: memref<1x128xf32, #tpu.memory_space<vmem>>, %arg11: memref<1x128xf32, #tpu.memory_space<vmem>>, %arg12: memref<1x128xf32, #tpu.memory_space<vmem>>, %arg13: memref<128x128xf32, #tpu.memory_space<vmem>>, %arg14: memref<1x1xf32, #tpu.memory_space<vmem>>, %arg15: memref<256x1xf32, #tpu.memory_space<vmem>>) attributes {dimension_semantics = [], scalar_prefetch = 0 : i64, scratch_operands = 0 : i64, tpu.core_type = #tpu.core_type<tc>} {
    %sqrt3A = arith.constant 1.000010e+00 : f32
    %sqrt3A_0 = math.sqrt %sqrt3A : f32
    %div3A = arith.constant 1.000000e+00 : f32
    %div3A_1 = arith.divf %div3A, %sqrt3A_0 : f32
    %get3A = arith.constant 0 : index
    %get3A_2 = arith.constant 0 : index
    %get3A_3 = vector.load %arg0[%get3A, %get3A_2] : memref<256x128xf32, #tpu.memory_space<vmem>>, vector<256x128xf32>
    %get3A_4 = arith.constant 0 : index
    %get3A_5 = arith.constant 0 : index
    %get3A_6 = vector.load %arg1[%get3A_4, %get3A_5] : memref<128x128xf32, #tpu.memory_space<vmem>>, vector<128x128xf32>
    %convert_element_type3A = arith.truncf %get3A_3 : vector<256x128xf32> to vector<256x128xbf16>
    %convert_element_type3A_7 = arith.truncf %get3A_6 : vector<128x128xf32> to vector<128x128xbf16>
    %dot_general3A = arith.constant dense<0.000000e+00> : vector<256x128xf32>
    %dot_general3A_8 = tpu.matmul %convert_element_type3A, %convert_element_type3A_7, %dot_general3A {dimension_numbers = #tpu.dot_dimension_numbers<[1], [0], [0], [1], [0, 0, 1, 1], [], []>, transpose_lhs_hint = false} : vector<256x128xbf16>, vector<128x128xbf16>, vector<256x128xf32> -> vector<256x128xf32>
    %get3A_9 = arith.constant 0 : index
    %get3A_10 = arith.constant 0 : index
    %get3A_11 = vector.load %arg2[%get3A_9, %get3A_10] : memref<1x128xf32, #tpu.memory_space<vmem>>, vector<1x128xf32>
    %add3A = vector.broadcast %get3A_11 : vector<1x128xf32> to vector<256x128xf32>
    %add3A_12 = arith.addf %dot_general3A_8, %add3A : vector<256x128xf32>
    %max3A = arith.constant 0.000000e+00 : f32
    %max3A_13 = vector.broadcast %max3A : f32 to vector<256x128xf32>
    %max3A_14 = arith.maximumf %add3A_12, %max3A_13 : vector<256x128xf32>
    %get3A_15 = arith.constant 0 : index
    %get3A_16 = arith.constant 0 : index
    %get3A_17 = vector.load %arg3[%get3A_15, %get3A_16] : memref<1x128xf32, #tpu.memory_space<vmem>>, vector<1x128xf32>
    %mul3A = vector.broadcast %div3A_1 : f32 to vector<1x128xf32>
    %mul3A_18 = arith.mulf %get3A_17, %mul3A : vector<1x128xf32>
    %mul3A_19 = vector.broadcast %mul3A_18 : vector<1x128xf32> to vector<256x128xf32>
    %mul3A_20 = arith.mulf %max3A_14, %mul3A_19 : vector<256x128xf32>
    %get3A_21 = arith.constant 0 : index
    %get3A_22 = arith.constant 0 : index
    %get3A_23 = vector.load %arg4[%get3A_21, %get3A_22] : memref<1x128xf32, #tpu.memory_space<vmem>>, vector<1x128xf32>
    %add3A_24 = vector.broadcast %get3A_23 : vector<1x128xf32> to vector<256x128xf32>
    %add3A_25 = arith.addf %mul3A_20, %add3A_24 : vector<256x128xf32>
    %get3A_26 = arith.constant 0 : index
    %get3A_27 = arith.constant 0 : index
    %get3A_28 = vector.load %arg5[%get3A_26, %get3A_27] : memref<128x128xf32, #tpu.memory_space<vmem>>, vector<128x128xf32>
    %convert_element_type3A_29 = arith.truncf %add3A_25 : vector<256x128xf32> to vector<256x128xbf16>
    %convert_element_type3A_30 = arith.truncf %get3A_28 : vector<128x128xf32> to vector<128x128xbf16>
    %dot_general3A_31 = arith.constant dense<0.000000e+00> : vector<256x128xf32>
    %dot_general3A_32 = tpu.matmul %convert_element_type3A_29, %convert_element_type3A_30, %dot_general3A_31 {dimension_numbers = #tpu.dot_dimension_numbers<[1], [0], [0], [1], [0, 0, 1, 1], [], []>, transpose_lhs_hint = false} : vector<256x128xbf16>, vector<128x128xbf16>, vector<256x128xf32> -> vector<256x128xf32>
    %get3A_33 = arith.constant 0 : index
    %get3A_34 = arith.constant 0 : index
    %get3A_35 = vector.load %arg6[%get3A_33, %get3A_34] : memref<1x128xf32, #tpu.memory_space<vmem>>, vector<1x128xf32>
    %add3A_36 = vector.broadcast %get3A_35 : vector<1x128xf32> to vector<256x128xf32>
    %add3A_37 = arith.addf %dot_general3A_32, %add3A_36 : vector<256x128xf32>
    %max3A_38 = arith.constant 0.000000e+00 : f32
    %max3A_39 = vector.broadcast %max3A_38 : f32 to vector<256x128xf32>
    %max3A_40 = arith.maximumf %add3A_37, %max3A_39 : vector<256x128xf32>
    %get3A_41 = arith.constant 0 : index
    %get3A_42 = arith.constant 0 : index
    %get3A_43 = vector.load %arg7[%get3A_41, %get3A_42] : memref<1x128xf32, #tpu.memory_space<vmem>>, vector<1x128xf32>
    %mul3A_44 = vector.broadcast %div3A_1 : f32 to vector<1x128xf32>
    %mul3A_45 = arith.mulf %get3A_43, %mul3A_44 : vector<1x128xf32>
    %mul3A_46 = vector.broadcast %mul3A_45 : vector<1x128xf32> to vector<256x128xf32>
    %mul3A_47 = arith.mulf %max3A_40, %mul3A_46 : vector<256x128xf32>
    %get3A_48 = arith.constant 0 : index
    %get3A_49 = arith.constant 0 : index
    %get3A_50 = vector.load %arg8[%get3A_48, %get3A_49] : memref<1x128xf32, #tpu.memory_space<vmem>>, vector<1x128xf32>
    %add3A_51 = vector.broadcast %get3A_50 : vector<1x128xf32> to vector<256x128xf32>
    %add3A_52 = arith.addf %mul3A_47, %add3A_51 : vector<256x128xf32>
    %get3A_53 = arith.constant 0 : index
    %get3A_54 = arith.constant 0 : index
    %get3A_55 = vector.load %arg9[%get3A_53, %get3A_54] : memref<128x128xf32, #tpu.memory_space<vmem>>, vector<128x128xf32>
    %convert_element_type3A_56 = arith.truncf %add3A_52 : vector<256x128xf32> to vector<256x128xbf16>
    %convert_element_type3A_57 = arith.truncf %get3A_55 : vector<128x128xf32> to vector<128x128xbf16>
    %dot_general3A_58 = arith.constant dense<0.000000e+00> : vector<256x128xf32>
    %dot_general3A_59 = tpu.matmul %convert_element_type3A_56, %convert_element_type3A_57, %dot_general3A_58 {dimension_numbers = #tpu.dot_dimension_numbers<[1], [0], [0], [1], [0, 0, 1, 1], [], []>, transpose_lhs_hint = false} : vector<256x128xbf16>, vector<128x128xbf16>, vector<256x128xf32> -> vector<256x128xf32>
    %get3A_60 = arith.constant 0 : index
    %get3A_61 = arith.constant 0 : index
    %get3A_62 = vector.load %arg10[%get3A_60, %get3A_61] : memref<1x128xf32, #tpu.memory_space<vmem>>, vector<1x128xf32>
    %add3A_63 = vector.broadcast %get3A_62 : vector<1x128xf32> to vector<256x128xf32>
    %add3A_64 = arith.addf %dot_general3A_59, %add3A_63 : vector<256x128xf32>
    %max3A_65 = arith.constant 0.000000e+00 : f32
    %max3A_66 = vector.broadcast %max3A_65 : f32 to vector<256x128xf32>
    %max3A_67 = arith.maximumf %add3A_64, %max3A_66 : vector<256x128xf32>
    %get3A_68 = arith.constant 0 : index
    %get3A_69 = arith.constant 0 : index
    %get3A_70 = vector.load %arg11[%get3A_68, %get3A_69] : memref<1x128xf32, #tpu.memory_space<vmem>>, vector<1x128xf32>
    %mul3A_71 = vector.broadcast %div3A_1 : f32 to vector<1x128xf32>
    %mul3A_72 = arith.mulf %get3A_70, %mul3A_71 : vector<1x128xf32>
    %mul3A_73 = vector.broadcast %mul3A_72 : vector<1x128xf32> to vector<256x128xf32>
    %mul3A_74 = arith.mulf %max3A_67, %mul3A_73 : vector<256x128xf32>
    %get3A_75 = arith.constant 0 : index
    %get3A_76 = arith.constant 0 : index
    %get3A_77 = vector.load %arg12[%get3A_75, %get3A_76] : memref<1x128xf32, #tpu.memory_space<vmem>>, vector<1x128xf32>
    %add3A_78 = vector.broadcast %get3A_77 : vector<1x128xf32> to vector<256x128xf32>
    %add3A_79 = arith.addf %mul3A_74, %add3A_78 : vector<256x128xf32>
    %get3A_80 = arith.constant 0 : index
    %get3A_81 = arith.constant 0 : index
    %get3A_82 = vector.load %arg13[%get3A_80, %get3A_81] : memref<128x128xf32, #tpu.memory_space<vmem>>, vector<128x128xf32>
    %convert_element_type3A_83 = arith.truncf %add3A_79 : vector<256x128xf32> to vector<256x128xbf16>
    %convert_element_type3A_84 = arith.truncf %get3A_82 : vector<128x128xf32> to vector<128x128xbf16>
    %dot_general3A_85 = arith.constant dense<0.000000e+00> : vector<256x128xf32>
    %dot_general3A_86 = tpu.matmul %convert_element_type3A_83, %convert_element_type3A_84, %dot_general3A_85 {dimension_numbers = #tpu.dot_dimension_numbers<[1], [0], [0], [1], [0, 0, 1, 1], [], []>, transpose_lhs_hint = false} : vector<256x128xbf16>, vector<128x128xbf16>, vector<256x128xf32> -> vector<256x128xf32>
    %iota3A = tpu.iota {dimensions = array<i32: 1>} : vector<256x128xi32>
    %eq3A = arith.constant 0 : i32
    %eq3A_87 = vector.broadcast %eq3A : i32 to vector<256x128xi32>
    %eq3A_88 = arith.cmpi eq, %iota3A, %eq3A_87 : vector<256x128xi32>
    %jit3A = arith.constant 0.000000e+00 : f32
    %broadcast_in_dim3A = vector.broadcast %jit3A : f32 to vector<256x128xf32>
    %select_n3A = arith.select %eq3A_88, %dot_general3A_86, %broadcast_in_dim3A : vector<256x128xi1>, vector<256x128xf32>
    %reduce_sum3A = arith.constant dense<0.000000e+00> : vector<256xf32>
    %reduce_sum3A_89 = vector.multi_reduction <add>, %select_n3A, %reduce_sum3A [1] : vector<256x128xf32> to vector<256xf32>
    %broadcast_in_dim3A_90 = vector.shape_cast %reduce_sum3A_89 : vector<256xf32> to vector<256x1xf32>
    %get3A_91 = arith.constant 0 : index
    %get3A_92 = arith.constant 0 : index
    %get3A_93 = vector.load %arg14[%get3A_91, %get3A_92] : memref<1x1xf32, #tpu.memory_space<vmem>>, vector<1x1xf32>
    %get3A_94 = vector.extract %get3A_93[0, 0] : f32 from vector<1x1xf32>
    %add3A_95 = vector.broadcast %get3A_94 : f32 to vector<256x1xf32>
    %add3A_96 = arith.addf %broadcast_in_dim3A_90, %add3A_95 : vector<256x1xf32>
    %swap3A = arith.constant 0 : index
    %swap3A_97 = arith.constant 0 : index
    %swap3A_98 = vector.load %arg15[%swap3A, %swap3A_97] : memref<256x1xf32, #tpu.memory_space<vmem>>, vector<256x1xf32>
    tpu.vector_store %arg15[%swap3A, %swap3A_97], %add3A_96 {strides = array<i32>} : memref<256x1xf32, #tpu.memory_space<vmem>>, vector<256x1xf32>,
    return
  }
}

</mosaic_0001>

<sc_bundles>
// kernel: kernel.10.cloned.1.call-start
scs
__scs_entry_jumppad:
0x0: {  	(pc) =	sbr.rel $0x88, $3  }
0x1: {  	(tag) =	ssettag $0x0;
	lr =	simm.s32 $0x1  }
0x2: {  	[smem:$0x3F7E] =	sst lr;
	_ =	strace $0xD0000000  }
0x3: {  	_ = 	snop  }
0x4: {  	_ = 	snop  }
0x5: {  	_ = 	snop  }
0x6: {  	_ = 	snop  }
0x7: {  	_ = 	snop  }
__scs_overlays_trampoline_lowered:
0x8: {  	[smem:$0x3F8D] =	sst s0  }
0x9: {  	[smem:$0x3F8E] =	sst s1  }
0xa: {  	[smem:$0x3F8F] =	sst s2  }
0xb: {  	[smem:$0x3F90] =	sst s3  }
0xc: {  	[smem:$0x3F91] =	sst s4  }
0xd: {  	[smem:$0x3F92] =	sst s5  }
0xe: {  	[smem:$0x3F93] =	sst s6  }
0xf: {  	[smem:$0x3F94] =	sst s7  }
0x10: {  	[smem:$0x3F95] =	sst s8  }
0x11: {  	[smem:$0x3F96] =	sst s9;
	s0 =	simm.s32 @!p0 $0x0  }
0x12: {  	s1 =	sld [smem:$0x3F7C];
	s0 =	simm.s32 @p0 $0x1  }
0x13: {  	[smem:$0x3F97] =	sst s0;
	s0 =	simm.s32 @!p1 $0x0  }
0x14: {  	s2 =	sld [smem:$0x3F7B];
	s0 =	simm.s32 @p1 $0x1  }
0x15: {  	[smem:$0x3F98] =	sst s0;
	s0 =	simm.s32 @!p2 $0x0  }
0x16: {  	s3 =	sld [smem:$0x3FDB];
	s0 =	simm.s32 @p2 $0x1  }
0x17: {  	s4 =	simm.s32 $0x1BF5;
	[smem:$0x3F9A] =	sst s0  }
0x18: {  	s0 =	sld [smem:$0x3F7D];
	_ =	swait.ge [sflag:s4], $0x0  }
0x19: {  	s7 =	sld [smem:$0x3F7E]  }
0x1a: {  	s8 =	sadd.s32 $0xFFFFE003, lr  }
0x1b: {  	s9 =	sadd.s32 $0xFFFFFEF7, lr;
	s5 =	simm.s32 $0xFFFFFFFF;
	p2 =	slt.u32 s8, $0xFFFFF086  }
0x1c: {  	p1 =	slt.u32 s9, $0xF7A;
	s5 =	simm.s32 @!p2 $0x0  }
0x1d: {  	s5 =	simm.s32 @p1 $0x1;
	p0 =	seq.s32 s7, s2  }
0x1e: {  	s7 =	smul.u32 @!p0 $0xF7A, s2;
	p2 =	seq.s32 @!p0 s5, $0x0  }
0x1f: {  	s9 =	smul.u32 $0xF7A, s1;
	s8 =	simm.s32 @!p0 $0x1BF5;
	p2 =	por !p2, p0  }
0x20: {  	[sflag:s8] =	ssyncset.s32 @!p0 $0xFFFFF086;
	s6 =	sadd.s32 @!p0 s3, s7;
	s7 =	simm.s32 @!p0 $0x108  }
0x21: {  	s3 =	sadd.s32 s3, s9;
	s6 =	sadd.s32 @!p0 $0x88, s6;
	s7 =	simm.s32 @p2 $0x1082  }
0x22: {  	[simem:s7], [sflag:s8] =	dma.local @!p0 [hbm:s6], $0xF7A  }
0x23: {  	s9 =	sor.u32 $0xD0000000, s2;
	s6 =	simm.s32 $0x108;
	_ =	swait.ge @!p0 [sflag:s8], $0x0  }
0x24: {  	s3 =	sadd.s32 $0x88, s3;
	s6 =	simm.s32 @!p1 $0x1082;
	[sflag:s4] =	ssyncset.s32 $0xFFFFF086  }
0x25: {  	[simem:s6], [sflag:s4] =	dma.local [hbm:s3], $0xF7A  }
0x26: {  	[smem:$0x3F7E] =	sst s1;
	(tag) =	ssettag s2;
	_ =	strace s9  }
0x27: {  	s1 =	sld [smem:$0x3F8E]  }
0x28: {  	s2 =	sld [smem:$0x3F8F]  }
0x29: {  	s4 =	sld [smem:$0x3F91]  }
0x2a: {  	p0 =	seq.s32 s5, $0x0;
	s5 =	sld [smem:$0x3F92]  }
0x2b: {  	s6 =	sld [smem:$0x3F93]  }
0x2c: {  	s7 =	sld [smem:$0x3F94]  }
0x2d: {  	s3 =	simm.s32 $0x108;
	s8 =	sld [smem:$0x3F95]  }
0x2e: {  	s3 =	simm.s32 @!p0 $0x1082;
	s9 =	sld [smem:$0x3F96]  }
0x2f: {  	lr =	sadd.s32 s0, s3;
	s0 =	sld [smem:$0x3F8D]  }
0x30: {  	s3 =	sld [smem:$0x3F90]  }
0x31: {  	[smem:$0x3F99] =	sst s10  }
0x32: {  	s10 =	sld [smem:$0x3F97];
	_ =	sdelay $0x3  }
0x33: {  	p0 =	seq.s32 s10, $0x1;
	s10 =	sld [smem:$0x3F99];
	_ =	sdelay $0x3  }
0x34: {  	[smem:$0x3F99] =	sst s10  }
0x35: {  	s10 =	sld [smem:$0x3F98];
	_ =	sdelay $0x3  }
0x36: {  	p1 =	seq.s32 s10, $0x1;
	s10 =	sld [smem:$0x3F99];
	_ =	sdelay $0x3  }
0x37: {  	[smem:$0x3F99] =	sst s10  }
0x38: {  	s10 =	sld [smem:$0x3F9A]  }
0x39: {  	_ = 	snop;
	(pc) =	sbr.ind lr, $3  }
0x3a: {  	_ = 	snop  }
0x3b: {  	_ = 	snop  }
0x3c: {  	p2 =	seq.s32 s10, $0x1;
	s10 =	sld [smem:$0x3F99]  }
0x3d: {  	_ =	shalt  }
0x3e: {  	_ =	shalt  }
0x3f: {  	_ =	shalt  }
0x40: {  	_ =	shalt  }
0x41: {  	_ =	shalt  }
0x42: {  	_ =	shalt  }
0x43: {  	_ =	shalt  }
0x44: {  	_ =	shalt  }
0x45: {  	_ =	shalt  }
0x46: {  	_ =	shalt  }
0x47: {  	_ =	shalt  }
0x48: {  	_ =	shalt  }
0x49: {  	_ =	shalt  }
0x4a: {  	_ =	shalt  }
0x4b: {  	_ =	shalt  }
0x4c: {  	_ =	shalt  }
0x4d: {  	_ =	shalt  }
0x4e: {  	_ =	shalt  }
0x4f: {  	_ =	shalt  }
0x50: {  	_ =	shalt  }
0x51: {  	_ =	shalt  }
0x52: {  	_ =	shalt  }
0x53: {  	_ =	shalt  }
0x54: {  	_ =	shalt  }
0x55: {  	_ =	shalt  }
0x56: {  	_ =	shalt  }
0x57: {  	_ =	shalt  }
0x58: {  	_ =	shalt  }
0x59: {  	_ =	shalt  }
0x5a: {  	_ =	shalt  }
0x5b: {  	_ =	shalt  }
0x5c: {  	_ =	shalt  }
0x5d: {  	_ =	shalt  }
0x5e: {  	_ =	shalt  }
0x5f: {  	_ =	shalt  }
0x60: {  	_ =	shalt  }
0x61: {  	_ =	shalt  }
0x62: {  	_ =	shalt  }
0x63: {  	_ =	shalt  }
0x64: {  	_ =	shalt  }
0x65: {  	_ =	shalt  }
0x66: {  	_ =	shalt  }
0x67: {  	_ =	shalt  }
0x68: {  	_ =	shalt  }
0x69: {  	_ =	shalt  }
0x6a: {  	_ =	shalt  }
0x6b: {  	_ =	shalt  }
0x6c: {  	_ =	shalt  }
0x6d: {  	_ =	shalt  }
0x6e: {  	_ =	shalt  }
0x6f: {  	_ =	shalt  }
0x70: {  	_ =	shalt  }
0x71: {  	_ =	shalt  }
0x72: {  	_ =	shalt  }
0x73: {  	_ =	shalt  }
0x74: {  	_ =	shalt  }
0x75: {  	_ =	shalt  }
0x76: {  	_ =	shalt  }
0x77: {  	_ =	shalt  }
0x78: {  	_ =	shalt  }
0x79: {  	_ =	shalt  }
0x7a: {  	_ =	shalt  }
0x7b: {  	_ =	shalt  }
0x7c: {  	_ =	shalt  }
0x7d: {  	_ =	shalt  }
0x7e: {  	_ =	shalt  }
0x7f: {  	_ =	shalt  }
0x80: {  	_ =	shalt  }
0x81: {  	_ =	shalt  }
0x82: {  	_ =	shalt  }
0x83: {  	_ =	shalt  }
0x84: {  	_ =	shalt  }
0x85: {  	_ =	shalt  }
0x86: {  	_ =	shalt  }
0x87: {  	_ =	shalt  }
.Lfunc_end0:
.L_simem_size_0:
called_computation_lowered:
.L_overlay_start_0:
0x88: {  	s2 =	sld [smem:$0x3FD9]  }
0x89: {  	s3 =	sld [smem:$0x3FFE];
	_ =	sdelay $0x1  }
0x8a: {  	s1 =	srdreg.scid  }
0x8b: {  	s0 =	sand.u32 $0x1, s1  }
0x8c: {  	s16 =	sshll.u32 s0, $0xA;
	s2 =	sadd.s32 s3, s2  }
0x8d: {  	s2 =	sadd.s32 s2, s16  }
0x8e: {  	[smem:$0x3FA5] =	sst s2  }
0x8f: {  	_ = 	snop  }
0x90: {  	(tm) =	ssettm $0x1  }
0x91: {  	s17 =	sld [smem:$0x3FFB];
	_ =	sdelay $0x3  }
0x92: {  	_ =	strace s17  }
0x93: {  	s2 =	sld [smem:$0x3FFC];
	_ =	sdelay $0x3  }
0x94: {  	_ =	strace s2  }
0x95: {  	s2 =	sld [smem:$0x3FFD];
	_ =	sdelay $0x3  }
0x96: {  	_ =	strace s2  }
0x97: {  	_ =	strace $0x8FFFFFFF  }
0x98: {  	s18 =	sld [smem:$0x3FDB];
	_ =	sdelay $0x1  }
0x99: {  	s19 =	simm.s32 $_scs_section_size  }
0x9a: {  	s4 =	simm.s32 $_size__tile_overlayer_lowered;
	s5 =	simm.s32 $_tile_overlayer_lowered  }
0x9b: {  	s22 =	simm.s32 $0x1BFF;
	s21 =	sshll.u32 s5, $0x1;
	s2 =	sadd.s32 s19, s18  }
0x9c: {  	s6 =	simm.s32 $0x0;
	s20 =	sshll.u32 s4, $0x1;
	s4 =	sadd.s32 s21, s2  }
0x9d: {  	[timem:s6], [sflag:s22] =	dma.local [hbm:s4], s20  }
0x9e: {  	_ =	swait.ge [sflag:s22], s20  }
0x9f: {  	s3 =	ssub.s32 $0x0, s20;
	[sflag:s22] =	ssyncset.done $0x0  }
0xa0: {  	[sflag:s22] =	ssyncadd.s32 s3;
	_ =	sdelay $0x1  }
0xa1: {  	s23 =	simm.s32 $0x1B8B  }
0xa2: {  	_ =	swait.ge [sflag:s23], $0x1  }
0xa3: {  	[sflag:s23] =	ssyncset.done $0x0  }
0xa4: {  	s25 =	simm.s32 $0x1B8E;
	s24 =	sld [smem:$0x3FFE];
	[sflag:s23] =	ssyncadd.s32 $0xFFFFFFFF  }
0xa5: {  	s26 =	simm.s32 $execute0_lowered;
	[smem:$0x3FD2] =	sst s25  }
0xa6: {  	s4 =	sshll.u32 s26, $0x1;
	_ =	strace $0x80000046;
	[dreg:$0x1] =	wrdreg $0xFFFFFFFF  }
0xa7: {  	s28 =	simm.s32 $_size_execute0_lowered;
	s2 =	sadd.s32 s2, s4;
	[dreg:$0x0] =	wrdreg $0x0  }
0xa8: {  	s4 =	sshll.u32 s28, $0x1;
	[dreg:$0x2] =	wrdreg s2  }
0xa9: {  	[dreg:$0x3] =	wrdreg s4  }
0xaa: {  	[dreg:$0x4] =	wrdreg $0xC0  }
0xab: {  	_ =	task [dreg:s6], $0x5FFFF  }
0xac: {  	[dreg:$0x1] =	wrdreg $0xFFFFFFFF  }
0xad: {  	[dreg:$0x0] =	wrdreg $0x60  }
0xae: {  	[dreg:$0x2] =	wrdreg s24  }
0xaf: {  	[dreg:$0x3] =	wrdreg $0xC0000  }
0xb0: {  	[dreg:$0x4] =	wrdreg $0x9  }
0xb1: {  	_ =	task.clear_ibuf [dreg:s6], $0x5FFFF;
	_ =	strace $0x90000046  }
0xb2: {  	s29 =	simm.s32 $0x9;
	_ =	strace $0x80000048  }
0xb3: {  	_ =	swait.ge [sflag:s29], $0x1  }
0xb4: {  	[sflag:s29] =	ssyncadd.s32 $0xFFFFFFFF  }
0xb5: {  	_ =	strace $0x90000048  }
0xb6: {  	_ =	sfence  }
0xb7: {  	s30 =	sld [smem:$0x0];
	_ =	sdelay $0x2  }
0xb8: {  	s31 =	sshll.u32 s1, $0xD;
	s1 =	sshrl.u32 s1, $0x2  }
0xb9: {  	s3 =	sand.u32 $0x4000, s31;
	s1 =	sadd.s32 s1, s30  }
0xba: {  	s0 =	sor.u32 s3, s0;
	s1 =	sshll.u32 s1, $0x11  }
0xbb: {  	s0 =	sor.u32 s1, s0  }
0xbc: {  	s0 =	sadd.s32 $0x8F2B, s0  }
0xbd: {  	[sflag:s0] =	ssyncadd.remote.s32 $0x1  }
0xbe: {  	_ =	sfence.sel $0xFFFF  }
0xbf: {  	[dreg:$0x0] =	wrdreg $0xFFFFFFFF;
	(pc) =	sbr.abs _section_cstart, $3  }
0xc0: {  	[dreg:$0x1] =	wrdreg $0xFFFFFFFF  }
0xc1: {  	_ =	task.clear_ibuf [dreg:s6], $0x2FFFF;
	_ =	strace $0x9FFFFFFF  }
0xc2: {  	(tm) =	ssettm $0x7FFFFFFF  }
0xc3: {  	_ =	shalt  }
tec
execute0_lowered:
.L_overlay_start_1:
0x0: {  	(tag) =	ssettag $0x1  }
0x1: {  	s5 =	rddreg [dreg:$0x0]  }
0x2: {  	s0 =	srdreg.scid;
	s2 =	rddreg [dreg:$0x1]  }
0x3: {  	s1 =	rddreg [dreg:$0x2];
	s3 =	simm.s32 $0x0;
	s6 =	sand.u32 $0x1, s0  }
0x4: {  	s14 =	simm.s32 $0xA000;
	s0 =	stileid.u32;
	s7 =	smul.u32 $0xA000, s6  }
0x5: {  	s15 =	simm.s32 $0x2;
	s16 =	simm.s32 $0x5000;
	s8 =	smul.u32 $0xA00, s0  }
0x6: {  	s17 =	simm.s32 $0x80;
	s18 =	simm.s32 $0x1;
	s9 =	smul.u32 $0xA0000, s6  }
0x7: {  	s20 =	simm.s32 $0x0;
	[smem:$0x7FF] =	sst s3;
	s10 =	smul.u32 $0xA000, s0  }
0x8: {  	s4 =	sadd.s32 $0xA74200, s5;
	s11 =	smul.u32 $0x28000, s0;
	s6 =	ssub.s32 $0x2, s6  }
0x9: {  	_ =	strace $0x80000047;
	s31 =	sshrl.u32 s6, $0x1;
	s7 =	sadd.s32 s8, s7  }
0xa: {  	s9 =	sadd.s32 s10, s9;
	s8 =	sadd.s32 s8, s5;
	s11 =	sshrl.u32 s11, $0x2  }
0xb: {  	s12 =	ssub.s32 s6, s31;
	s19 =	sadd.s32 s10, s2;
	s9 =	sshrl.u32 s9, $0x3  }
0xc: {  	s7 =	sadd.s32 s7, s5;
	s19 =	sshrl.u32 s19, $0x3;
	s9 =	sadd.s32 s9, s5  }
0xd: {  	s5 =	sadd.s32 s11, s2;
	s6 =	sadd.s32 $0x10200, s7;
	s7 =	sadd.s32 $0x4C200, s8  }
0xe: {  	s8 =	sadd.s32 $0x56200, s9;
	s9 =	smax.u32 s12, $0x1;
	s10 =	sadd.s32 $0x2000, s5  }
0xf: {  	v0 =	vimm.f32 $0.0e+00;
	s11 =	sadd.s32 $0x4000, s5;
	s12 =	sadd.s32 $0x6000, s5;
	s13 =	sadd.s32 $0x8000, s5  }
.LBB2_1:
0x10: {  	s21 =	sand.u32 $0x7F00, s3  }
0x11: {  	s22 =	sand.u32 $0x30, s3;
	s23 =	sshrl.u32 s21, $0x2  }
0x12: {  	s21 =	simm.s32 $0x40;
	s23 =	sor.u32 s22, s23;
	s22 =	simm.s32 $0x0  }
.LBB2_2:
0x13: {  	p0 =	sne.s32 s21, $0x7FC0  }
0x14: {  	[tilespmem:s23+$0xA000] =	vst v0;
	s22 =	sadd.s32 $0x10, s22;
	s23 =	smov.u32 s21;
	s21 =	sadd.s32 $0x40, s21  }
.Ltmp0:
0x15: {  	(pc) =	sbr.rel @p0 .LBB2_2-.Ltmp0, $4  }
0x16: {  	_ = 	snop  }
0x17: {  	s23 =	sand.u32 $0x7F00, s23  }
0x18: {  	s24 =	sand.u32 $0x30, s22;
	s23 =	sshrl.u32 s23, $0x2  }
0x19: {  	s23 =	sor.u32 s24, s23  }
0x1a: {  	[tilespmem:s23+$0xA000] =	vst v0  }
0x1b: {  	[spmem:s5] =	stream.linear.scatter [tilespmem:s14], [sflag:$0x2], $0x2000, $0x38;
	[tilespmem:$0x16000] =	vst v63  }
0x1c: {  	_ =	swait.ge [sflag:s15], $0x2000  }
0x1d: {  	[sflag:s15] =	ssyncset.done $0x0  }
0x1e: {  	[sflag:s15] =	ssyncadd.s32 $0xFFFFE000  }
0x1f: {  	[spmem:s10] =	stream.linear.scatter [tilespmem:s14], [sflag:$0x2], $0x2000, $0x38;
	[tilespmem:$0x16000] =	vst v63  }
0x20: {  	_ =	swait.ge [sflag:s15], $0x2000  }
0x21: {  	[sflag:s15] =	ssyncset.done $0x0  }
0x22: {  	[sflag:s15] =	ssyncadd.s32 $0xFFFFE000  }
0x23: {  	[spmem:s11] =	stream.linear.scatter [tilespmem:s14], [sflag:$0x2], $0x2000, $0x38;
	[tilespmem:$0x16000] =	vst v63  }
0x24: {  	_ =	swait.ge [sflag:s15], $0x2000  }
0x25: {  	[sflag:s15] =	ssyncset.done $0x0  }
0x26: {  	[sflag:s15] =	ssyncadd.s32 $0xFFFFE000  }
0x27: {  	[spmem:s12] =	stream.linear.scatter [tilespmem:s14], [sflag:$0x2], $0x2000, $0x38;
	[tilespmem:$0x16000] =	vst v63  }
0x28: {  	_ =	swait.ge [sflag:s15], $0x2000  }
0x29: {  	[sflag:s15] =	ssyncset.done $0x0  }
0x2a: {  	[sflag:s15] =	ssyncadd.s32 $0xFFFFE000  }
0x2b: {  	[spmem:s13] =	stream.linear.scatter [tilespmem:s14], [sflag:$0x2], $0x2000, $0x38;
	[tilespmem:$0x16000] =	vst v63  }
0x2c: {  	_ =	swait.ge [sflag:s15], $0x2000  }
0x2d: {  	[sflag:s15] =	ssyncset.done $0x0  }
0x2e: {  	s21 =	simm.s32 $0x0;
	[sflag:s15] =	ssyncadd.s32 $0xFFFFE000  }
0x2f: {  	[tilespmem:s21], [sflag:$0x2] =	stream.linear.gather [hbm4b:s6+s21], $0x5000, $0x38;
	[tilespmem:$0x16000] =	vst v63  }
0x30: {  	_ =	swait.ge [sflag:s15], $0x5000  }
0x31: {  	[sflag:s15] =	ssyncset.done $0x0  }
0x32: {  	[sflag:s15] =	ssyncadd.s32 $0xFFFFB000  }
0x33: {  	[tilespmem:s16], [sflag:$0x2] =	stream.linear.gather [hbm4b:s7+s21], $0x5000, $0x38;
	[tilespmem:$0x16000] =	vst v63  }
0x34: {  	_ =	swait.ge [sflag:s15], $0x5000  }
0x35: {  	[sflag:s15] =	ssyncset.done $0x0  }
0x36: {  	[sflag:s15] =	ssyncadd.s32 $0xFFFFB000  }
0x37: {  	s30 =	simm.s32 $0x0;
	[bflag:$0x0] =	sbarrier.arrive $0xFFFF  }
0x38: {  	[tilespmem:s14], [sflag:$0x1] =	stream.indirect.gather [hbm4b:s4+s17], $0x40, s30, s17, $0xb8;
	[tilespmem:$0x16000] =	vst v63  }
0x39: {  	_ =	swait.ge [sflag:s18], $0x2000  }
0x3a: {  	[sflag:s18] =	ssyncset.done $0x0  }
0x3b: {  	s31 =	simm.s32 $0x5000;
	[sflag:s18] =	ssyncadd.s32 $0xFFFFE000  }
0x3c: {  	[spmem:s2] =	stream.indirect.scatter.add.f32 [tilespmem:s14], [sflag:$0x2], $0x40, s31, s17, $0xb8;
	[tilespmem:$0x16000] =	vst v63  }
0x3d: {  	_ =	swait.ge [sflag:s15], $0x2000  }
0x3e: {  	s22 =	simm.s32 $0x400;
	s21 =	simm.s32 $0x200;
	[sflag:s15] =	ssyncset.done $0x0  }
.LBB2_4:
0x3f: {  	s23 =	sshra.s32 s21, $0x2  }
0x40: {  	[sflag:s15] =	ssyncadd.s32 $0xFFFFE000;
	s21 =	smov.u32 s22;
	s24 =	sadd.s32 $0x200, s22  }
0x41: {  	[tilespmem:s14], [sflag:$0x1] =	stream.indirect.gather [hbm4b:s4+s17], $0x40, s23, s17, $0xb8;
	[tilespmem:$0x16000] =	vst v63  }
0x42: {  	p0 =	sne.s32 s22, $0x13E00;
	_ =	swait.ge [sflag:s18], $0x2000  }
.Ltmp1:
0x43: {  	[sflag:s18] =	ssyncset.done $0x0;
	(pc) =	sbr.rel @p0 .LBB2_4-.Ltmp1, $4  }
0x44: {  	s22 =	sadd.s32 $0x5000, s23;
	[sflag:s18] =	ssyncadd.s32 $0xFFFFE000  }
0x45: {  	[spmem:s2] =	stream.indirect.scatter.add.f32 [tilespmem:s14], [sflag:$0x2], $0x40, s22, s17, $0xb8;
	[tilespmem:$0x16000] =	vst v63  }
0x46: {  	_ =	swait.ge [sflag:s15], $0x2000  }
0x47: {  	s22 =	smov.u32 s24;
	[sflag:s15] =	ssyncset.done $0x0  }
0x48: {  	s21 =	sshra.s32 s21, $0x2;
	[sflag:s15] =	ssyncadd.s32 $0xFFFFE000  }
0x49: {  	[tilespmem:s14], [sflag:$0x1] =	stream.indirect.gather [hbm4b:s4+s17], $0x40, s21, s17, $0xb8;
	[tilespmem:$0x16000] =	vst v63  }
0x4a: {  	_ =	swait.ge [sflag:s18], $0x2000  }
0x4b: {  	[sflag:s18] =	ssyncset.done $0x0  }
0x4c: {  	s21 =	sadd.s32 $0x5000, s21;
	[sflag:s18] =	ssyncadd.s32 $0xFFFFE000  }
0x4d: {  	[spmem:s2] =	stream.indirect.scatter.add.f32 [tilespmem:s14], [sflag:$0x2], $0x40, s21, s17, $0xb8;
	[tilespmem:$0x16000] =	vst v63  }
0x4e: {  	_ =	swait.ge [sflag:s15], $0x2000  }
0x4f: {  	s20 =	sadd.s32 $0x1, s20;
	[sflag:s15] =	ssyncset.done $0x0  }
0x50: {  	s31 =	sshll.u32 s0, $0x6;
	p0 =	sne.s32 s20, s9;
	[sflag:s15] =	ssyncadd.s32 $0xFFFFE000  }
.Ltmp2:
0x51: {  	s21 =	sor.u32 $0x1C02, s31;
	[bflag:$0x0] =	sbarrier.arrive $0xFFFF;
	(pc) =	sbr.rel @p0 .LBB2_1-.Ltmp2, $4  }
0x52: {  	[hbm:s8], [sflag:s21] =	dma.local [spmem:s19], $0x1400  }
0x53: {  	_ =	swait.ge [sflag:s15], $0x1400  }
0x54: {  	[sflag:s15] =	ssyncset.done $0x0  }
0x55: {  	[sflag:s15] =	ssyncadd.s32 $0xFFFFEC00  }
0x56: {  	_ =	sfence.sel $0x180000  }
0x57: {  	[bflag:$0x0] =	sbarrier.arrive $0xFFFF  }
0x58: {  	p0 =	sne.s32 s0, $0x0;
	_ =	strace $0x90000047  }
0x59: {  	s0 =	sadd.s32 @!p0 $0x100000, s1;
	[bflag:$0x2] =	sbarrier.arrive $0xFFFF  }
0x5a: {  	[sflag:s0] =	ssyncadd.tile.s32 @!p0 $0x1;
	_ =	shalt  }
.Lfunc_end2:
_tile_overlayer_lowered:
.L_overlay_start_2:
0x5b: {  	(tag) =	ssettag $0x2  }
0x5c: {  	s0 =	rddreg [dreg:$0x0];
	s2 =	stileid.u32  }
0x5d: {  	s1 =	rddreg [dreg:$0x1];
	p0 =	sne.s32 s2, $0x0  }
0x5e: {  	s3 =	rddreg [dreg:$0x2];
	[bflag:$0x3] =	sbarrier.arrive $0xFFFF;
	s2 =	simm.s32 @!p0 $0x1C02  }
0x5f: {  	[timem:s3], [sflag:s2] =	dma.local @!p0 [hbm:s0], s1  }
0x60: {  	s0 =	simm.s32 @!p0 $0x2  }
0x61: {  	_ =	swait.ge @!p0 [sflag:s0], s1  }
0x62: {  	s1 =	ssub.s32 @!p0 $0x0, s1;
	[sflag:s0] =	ssyncset.done @!p0 $0x0  }
0x63: {  	[sflag:s0] =	ssyncadd.s32 @!p0 s1  }
0x64: {  	[bflag:$0x3] =	sbarrier.arrive $0xFFFF  }
0x65: {  	_ =	shalt  }

// kernel: kernel.13.cloned.1.call-start
scs
__scs_entry_jumppad:
0x0: {  	(pc) =	sbr.rel $0x88, $3  }
0x1: {  	(tag) =	ssettag $0x0;
	lr =	simm.s32 $0x1  }
0x2: {  	[smem:$0x3F7E] =	sst lr;
	_ =	strace $0xD0000000  }
0x3: {  	_ = 	snop  }
0x4: {  	_ = 	snop  }
0x5: {  	_ = 	snop  }
0x6: {  	_ = 	snop  }
0x7: {  	_ = 	snop  }
__scs_overlays_trampoline_lowered:
0x8: {  	[smem:$0x3F8D] =	sst s0  }
0x9: {  	[smem:$0x3F8E] =	sst s1  }
0xa: {  	[smem:$0x3F8F] =	sst s2  }
0xb: {  	[smem:$0x3F90] =	sst s3  }
0xc: {  	[smem:$0x3F91] =	sst s4  }
0xd: {  	[smem:$0x3F92] =	sst s5  }
0xe: {  	[smem:$0x3F93] =	sst s6  }
0xf: {  	[smem:$0x3F94] =	sst s7  }
0x10: {  	[smem:$0x3F95] =	sst s8  }
0x11: {  	[smem:$0x3F96] =	sst s9;
	s0 =	simm.s32 @!p0 $0x0  }
0x12: {  	s1 =	sld [smem:$0x3F7C];
	s0 =	simm.s32 @p0 $0x1  }
0x13: {  	[smem:$0x3F97] =	sst s0;
	s0 =	simm.s32 @!p1 $0x0  }
0x14: {  	s2 =	sld [smem:$0x3F7B];
	s0 =	simm.s32 @p1 $0x1  }
0x15: {  	[smem:$0x3F98] =	sst s0;
	s0 =	simm.s32 @!p2 $0x0  }
0x16: {  	s3 =	sld [smem:$0x3FDB];
	s0 =	simm.s32 @p2 $0x1  }
0x17: {  	s4 =	simm.s32 $0x1BF5;
	[smem:$0x3F9A] =	sst s0  }
0x18: {  	s0 =	sld [smem:$0x3F7D];
	_ =	swait.ge [sflag:s4], $0x0  }
0x19: {  	s7 =	sld [smem:$0x3F7E]  }
0x1a: {  	s8 =	sadd.s32 $0xFFFFE003, lr  }
0x1b: {  	s9 =	sadd.s32 $0xFFFFFEF7, lr;
	s5 =	simm.s32 $0xFFFFFFFF;
	p2 =	slt.u32 s8, $0xFFFFF086  }
0x1c: {  	p1 =	slt.u32 s9, $0xF7A;
	s5 =	simm.s32 @!p2 $0x0  }
0x1d: {  	s5 =	simm.s32 @p1 $0x1;
	p0 =	seq.s32 s7, s2  }
0x1e: {  	s7 =	smul.u32 @!p0 $0xF7A, s2;
	p2 =	seq.s32 @!p0 s5, $0x0  }
0x1f: {  	s9 =	smul.u32 $0xF7A, s1;
	s8 =	simm.s32 @!p0 $0x1BF5;
	p2 =	por !p2, p0  }
0x20: {  	[sflag:s8] =	ssyncset.s32 @!p0 $0xFFFFF086;
	s6 =	sadd.s32 @!p0 s3, s7;
	s7 =	simm.s32 @!p0 $0x108  }
0x21: {  	s3 =	sadd.s32 s3, s9;
	s6 =	sadd.s32 @!p0 $0x88, s6;
	s7 =	simm.s32 @p2 $0x1082  }
0x22: {  	[simem:s7], [sflag:s8] =	dma.local @!p0 [hbm:s6], $0xF7A  }
0x23: {  	s9 =	sor.u32 $0xD0000000, s2;
	s6 =	simm.s32 $0x108;
	_ =	swait.ge @!p0 [sflag:s8], $0x0  }
0x24: {  	s3 =	sadd.s32 $0x88, s3;
	s6 =	simm.s32 @!p1 $0x1082;
	[sflag:s4] =	ssyncset.s32 $0xFFFFF086  }
0x25: {  	[simem:s6], [sflag:s4] =	dma.local [hbm:s3], $0xF7A  }
0x26: {  	[smem:$0x3F7E] =	sst s1;
	(tag) =	ssettag s2;
	_ =	strace s9  }
0x27: {  	s1 =	sld [smem:$0x3F8E]  }
0x28: {  	s2 =	sld [smem:$0x3F8F]  }
0x29: {  	s4 =	sld [smem:$0x3F91]  }
0x2a: {  	p0 =	seq.s32 s5, $0x0;
	s5 =	sld [smem:$0x3F92]  }
0x2b: {  	s6 =	sld [smem:$0x3F93]  }
0x2c: {  	s7 =	sld [smem:$0x3F94]  }
0x2d: {  	s3 =	simm.s32 $0x108;
	s8 =	sld [smem:$0x3F95]  }
0x2e: {  	s3 =	simm.s32 @!p0 $0x1082;
	s9 =	sld [smem:$0x3F96]  }
0x2f: {  	lr =	sadd.s32 s0, s3;
	s0 =	sld [smem:$0x3F8D]  }
0x30: {  	s3 =	sld [smem:$0x3F90]  }
0x31: {  	[smem:$0x3F99] =	sst s10  }
0x32: {  	s10 =	sld [smem:$0x3F97];
	_ =	sdelay $0x3  }
0x33: {  	p0 =	seq.s32 s10, $0x1;
	s10 =	sld [smem:$0x3F99];
	_ =	sdelay $0x3  }
0x34: {  	[smem:$0x3F99] =	sst s10  }
0x35: {  	s10 =	sld [smem:$0x3F98];
	_ =	sdelay $0x3  }
0x36: {  	p1 =	seq.s32 s10, $0x1;
	s10 =	sld [smem:$0x3F99];
	_ =	sdelay $0x3  }
0x37: {  	[smem:$0x3F99] =	sst s10  }
0x38: {  	s10 =	sld [smem:$0x3F9A]  }
0x39: {  	_ = 	snop;
	(pc) =	sbr.ind lr, $3  }
0x3a: {  	_ = 	snop  }
0x3b: {  	_ = 	snop  }
0x3c: {  	p2 =	seq.s32 s10, $0x1;
	s10 =	sld [smem:$0x3F99]  }
0x3d: {  	_ =	shalt  }
0x3e: {  	_ =	shalt  }
0x3f: {  	_ =	shalt  }
0x40: {  	_ =	shalt  }
0x41: {  	_ =	shalt  }
0x42: {  	_ =	shalt  }
0x43: {  	_ =	shalt  }
0x44: {  	_ =	shalt  }
0x45: {  	_ =	shalt  }
0x46: {  	_ =	shalt  }
0x47: {  	_ =	shalt  }
0x48: {  	_ =	shalt  }
0x49: {  	_ =	shalt  }
0x4a: {  	_ =	shalt  }
0x4b: {  	_ =	shalt  }
0x4c: {  	_ =	shalt  }
0x4d: {  	_ =	shalt  }
0x4e: {  	_ =	shalt  }
0x4f: {  	_ =	shalt  }
0x50: {  	_ =	shalt  }
0x51: {  	_ =	shalt  }
0x52: {  	_ =	shalt  }
0x53: {  	_ =	shalt  }
0x54: {  	_ =	shalt  }
0x55: {  	_ =	shalt  }
0x56: {  	_ =	shalt  }
0x57: {  	_ =	shalt  }
0x58: {  	_ =	shalt  }
0x59: {  	_ =	shalt  }
0x5a: {  	_ =	shalt  }
0x5b: {  	_ =	shalt  }
0x5c: {  	_ =	shalt  }
0x5d: {  	_ =	shalt  }
0x5e: {  	_ =	shalt  }
0x5f: {  	_ =	shalt  }
0x60: {  	_ =	shalt  }
0x61: {  	_ =	shalt  }
0x62: {  	_ =	shalt  }
0x63: {  	_ =	shalt  }
0x64: {  	_ =	shalt  }
0x65: {  	_ =	shalt  }
0x66: {  	_ =	shalt  }
0x67: {  	_ =	shalt  }
0x68: {  	_ =	shalt  }
0x69: {  	_ =	shalt  }
0x6a: {  	_ =	shalt  }
0x6b: {  	_ =	shalt  }
0x6c: {  	_ =	shalt  }
0x6d: {  	_ =	shalt  }
0x6e: {  	_ =	shalt  }
0x6f: {  	_ =	shalt  }
0x70: {  	_ =	shalt  }
0x71: {  	_ =	shalt  }
0x72: {  	_ =	shalt  }
0x73: {  	_ =	shalt  }
0x74: {  	_ =	shalt  }
0x75: {  	_ =	shalt  }
0x76: {  	_ =	shalt  }
0x77: {  	_ =	shalt  }
0x78: {  	_ =	shalt  }
0x79: {  	_ =	shalt  }
0x7a: {  	_ =	shalt  }
0x7b: {  	_ =	shalt  }
0x7c: {  	_ =	shalt  }
0x7d: {  	_ =	shalt  }
0x7e: {  	_ =	shalt  }
0x7f: {  	_ =	shalt  }
0x80: {  	_ =	shalt  }
0x81: {  	_ =	shalt  }
0x82: {  	_ =	shalt  }
0x83: {  	_ =	shalt  }
0x84: {  	_ =	shalt  }
0x85: {  	_ =	shalt  }
0x86: {  	_ =	shalt  }
0x87: {  	_ =	shalt  }
.Lfunc_end0:
.L_simem_size_0:
called_computation.1_lowered:
.L_overlay_start_0:
0x88: {  	s2 =	sld [smem:$0x3FD9]  }
0x89: {  	s3 =	sld [smem:$0x3FFE];
	_ =	sdelay $0x1  }
0x8a: {  	s1 =	srdreg.scid  }
0x8b: {  	s0 =	sand.u32 $0x1, s1  }
0x8c: {  	s16 =	sshll.u32 s0, $0xA;
	s2 =	sadd.s32 s3, s2  }
0x8d: {  	s2 =	sadd.s32 s2, s16  }
0x8e: {  	[smem:$0x3FA5] =	sst s2  }
0x8f: {  	_ = 	snop  }
0x90: {  	(tm) =	ssettm $0x1  }
0x91: {  	s17 =	sld [smem:$0x3FFB];
	_ =	sdelay $0x3  }
0x92: {  	_ =	strace s17  }
0x93: {  	s2 =	sld [smem:$0x3FFC];
	_ =	sdelay $0x3  }
0x94: {  	_ =	strace s2  }
0x95: {  	s2 =	sld [smem:$0x3FFD];
	_ =	sdelay $0x3  }
0x96: {  	_ =	strace s2  }
0x97: {  	_ =	strace $0x8FFFFFFF  }
0x98: {  	s18 =	sld [smem:$0x3FDB];
	_ =	sdelay $0x1  }
0x99: {  	s19 =	simm.s32 $_scs_section_size  }
0x9a: {  	s4 =	simm.s32 $_size__tile_overlayer_lowered;
	s5 =	simm.s32 $_tile_overlayer_lowered  }
0x9b: {  	s22 =	simm.s32 $0x1BFF;
	s21 =	sshll.u32 s5, $0x1;
	s2 =	sadd.s32 s19, s18  }
0x9c: {  	s6 =	simm.s32 $0x0;
	s20 =	sshll.u32 s4, $0x1;
	s4 =	sadd.s32 s21, s2  }
0x9d: {  	[timem:s6], [sflag:s22] =	dma.local [hbm:s4], s20  }
0x9e: {  	_ =	swait.ge [sflag:s22], s20  }
0x9f: {  	s3 =	ssub.s32 $0x0, s20;
	[sflag:s22] =	ssyncset.done $0x0  }
0xa0: {  	[sflag:s22] =	ssyncadd.s32 s3;
	_ =	sdelay $0x1  }
0xa1: {  	s23 =	simm.s32 $0x1B8B  }
0xa2: {  	_ =	swait.ge [sflag:s23], $0x1  }
0xa3: {  	[sflag:s23] =	ssyncset.done $0x0  }
0xa4: {  	s25 =	simm.s32 $0x1B8E;
	s24 =	sld [smem:$0x3FFE];
	[sflag:s23] =	ssyncadd.s32 $0xFFFFFFFF  }
0xa5: {  	s26 =	simm.s32 $execute0_lowered;
	[smem:$0x3FD2] =	sst s25  }
0xa6: {  	s4 =	sshll.u32 s26, $0x1;
	_ =	strace $0x80000049;
	[dreg:$0x1] =	wrdreg $0xFFFFFFFF  }
0xa7: {  	s28 =	simm.s32 $_size_execute0_lowered;
	s2 =	sadd.s32 s2, s4;
	[dreg:$0x0] =	wrdreg $0x0  }
0xa8: {  	s4 =	sshll.u32 s28, $0x1;
	[dreg:$0x2] =	wrdreg s2  }
0xa9: {  	[dreg:$0x3] =	wrdreg s4  }
0xaa: {  	[dreg:$0x4] =	wrdreg $0xC0  }
0xab: {  	_ =	task [dreg:s6], $0x5FFFF  }
0xac: {  	[dreg:$0x1] =	wrdreg $0xFFFFFFFF  }
0xad: {  	[dreg:$0x0] =	wrdreg $0x60  }
0xae: {  	[dreg:$0x2] =	wrdreg s24  }
0xaf: {  	[dreg:$0x3] =	wrdreg $0xC0000  }
0xb0: {  	[dreg:$0x4] =	wrdreg $0x9  }
0xb1: {  	_ =	task.clear_ibuf [dreg:s6], $0x5FFFF;
	_ =	strace $0x90000049  }
0xb2: {  	s29 =	simm.s32 $0x9;
	_ =	strace $0x8000004B  }
0xb3: {  	_ =	swait.ge [sflag:s29], $0x1  }
0xb4: {  	[sflag:s29] =	ssyncadd.s32 $0xFFFFFFFF  }
0xb5: {  	_ =	strace $0x9000004B  }
0xb6: {  	_ =	sfence  }
0xb7: {  	s30 =	sld [smem:$0x0];
	_ =	sdelay $0x2  }
0xb8: {  	s31 =	sshll.u32 s1, $0xD;
	s1 =	sshrl.u32 s1, $0x2  }
0xb9: {  	s3 =	sand.u32 $0x4000, s31;
	s1 =	sadd.s32 s1, s30  }
0xba: {  	s0 =	sor.u32 s3, s0;
	s1 =	sshll.u32 s1, $0x11  }
0xbb: {  	s0 =	sor.u32 s1, s0  }
0xbc: {  	s0 =	sadd.s32 $0x8F2B, s0  }
0xbd: {  	[sflag:s0] =	ssyncadd.remote.s32 $0x1  }
0xbe: {  	_ =	sfence.sel $0xFFFF  }
0xbf: {  	[dreg:$0x0] =	wrdreg $0xFFFFFFFF;
	(pc) =	sbr.abs _section_cstart, $3  }
0xc0: {  	[dreg:$0x1] =	wrdreg $0xFFFFFFFF  }
0xc1: {  	_ =	task.clear_ibuf [dreg:s6], $0x2FFFF;
	_ =	strace $0x9FFFFFFF  }
0xc2: {  	(tm) =	ssettm $0x7FFFFFFF  }
0xc3: {  	_ =	shalt  }
tec
execute0_lowered:
.L_overlay_start_1:
0x0: {  	(tag) =	ssettag $0x1  }
0x1: {  	s5 =	rddreg [dreg:$0x0]  }
0x2: {  	s0 =	srdreg.scid;
	s2 =	rddreg [dreg:$0x1]  }
0x3: {  	s1 =	rddreg [dreg:$0x2];
	s3 =	simm.s32 $0x0;
	s6 =	sand.u32 $0x1, s0  }
0x4: {  	s14 =	simm.s32 $0xA000;
	s0 =	stileid.u32;
	s7 =	smul.u32 $0xA000, s6  }
0x5: {  	s15 =	simm.s32 $0x2;
	s16 =	simm.s32 $0x5000;
	s8 =	smul.u32 $0xA00, s0  }
0x6: {  	s17 =	simm.s32 $0x80;
	s18 =	simm.s32 $0x1;
	s9 =	smul.u32 $0xA0000, s6  }
0x7: {  	s20 =	simm.s32 $0x0;
	[smem:$0x7FF] =	sst s3;
	s10 =	smul.u32 $0xA000, s0  }
0x8: {  	s4 =	sadd.s32 $0xA7E200, s5;
	s11 =	smul.u32 $0x28000, s0;
	s6 =	ssub.s32 $0x2, s6  }
0x9: {  	_ =	strace $0x8000004A;
	s31 =	sshrl.u32 s6, $0x1;
	s7 =	sadd.s32 s8, s7  }
0xa: {  	s9 =	sadd.s32 s10, s9;
	s8 =	sadd.s32 s8, s5;
	s11 =	sshrl.u32 s11, $0x2  }
0xb: {  	s12 =	ssub.s32 s6, s31;
	s19 =	sadd.s32 s10, s2;
	s9 =	sshrl.u32 s9, $0x3  }
0xc: {  	s7 =	sadd.s32 s7, s5;
	s19 =	sshrl.u32 s19, $0x3;
	s9 =	sadd.s32 s9, s5  }
0xd: {  	s5 =	sadd.s32 s11, s2;
	s6 =	sadd.s32 $0x10200, s7;
	s7 =	sadd.s32 $0x4C200, s8  }
0xe: {  	s8 =	sadd.s32 $0x56200, s9;
	s9 =	smax.u32 s12, $0x1;
	s10 =	sadd.s32 $0x2000, s5  }
0xf: {  	v0 =	vimm.f32 $0.0e+00;
	s11 =	sadd.s32 $0x4000, s5;
	s12 =	sadd.s32 $0x6000, s5;
	s13 =	sadd.s32 $0x8000, s5  }
.LBB2_1:
0x10: {  	s21 =	sand.u32 $0x7F00, s3  }
0x11: {  	s22 =	sand.u32 $0x30, s3;
	s23 =	sshrl.u32 s21, $0x2  }
0x12: {  	s21 =	simm.s32 $0x40;
	s23 =	sor.u32 s22, s23;
	s22 =	simm.s32 $0x0  }
.LBB2_2:
0x13: {  	p0 =	sne.s32 s21, $0x7FC0  }
0x14: {  	[tilespmem:s23+$0xA000] =	vst v0;
	s22 =	sadd.s32 $0x10, s22;
	s23 =	smov.u32 s21;
	s21 =	sadd.s32 $0x40, s21  }
.Ltmp0:
0x15: {  	(pc) =	sbr.rel @p0 .LBB2_2-.Ltmp0, $4  }
0x16: {  	_ = 	snop  }
0x17: {  	s23 =	sand.u32 $0x7F00, s23  }
0x18: {  	s24 =	sand.u32 $0x30, s22;
	s23 =	sshrl.u32 s23, $0x2  }
0x19: {  	s23 =	sor.u32 s24, s23  }
0x1a: {  	[tilespmem:s23+$0xA000] =	vst v0  }
0x1b: {  	[spmem:s5] =	stream.linear.scatter [tilespmem:s14], [sflag:$0x2], $0x2000, $0x38;
	[tilespmem:$0x16000] =	vst v63  }
0x1c: {  	_ =	swait.ge [sflag:s15], $0x2000  }
0x1d: {  	[sflag:s15] =	ssyncset.done $0x0  }
0x1e: {  	[sflag:s15] =	ssyncadd.s32 $0xFFFFE000  }
0x1f: {  	[spmem:s10] =	stream.linear.scatter [tilespmem:s14], [sflag:$0x2], $0x2000, $0x38;
	[tilespmem:$0x16000] =	vst v63  }
0x20: {  	_ =	swait.ge [sflag:s15], $0x2000  }
0x21: {  	[sflag:s15] =	ssyncset.done $0x0  }
0x22: {  	[sflag:s15] =	ssyncadd.s32 $0xFFFFE000  }
0x23: {  	[spmem:s11] =	stream.linear.scatter [tilespmem:s14], [sflag:$0x2], $0x2000, $0x38;
	[tilespmem:$0x16000] =	vst v63  }
0x24: {  	_ =	swait.ge [sflag:s15], $0x2000  }
0x25: {  	[sflag:s15] =	ssyncset.done $0x0  }
0x26: {  	[sflag:s15] =	ssyncadd.s32 $0xFFFFE000  }
0x27: {  	[spmem:s12] =	stream.linear.scatter [tilespmem:s14], [sflag:$0x2], $0x2000, $0x38;
	[tilespmem:$0x16000] =	vst v63  }
0x28: {  	_ =	swait.ge [sflag:s15], $0x2000  }
0x29: {  	[sflag:s15] =	ssyncset.done $0x0  }
0x2a: {  	[sflag:s15] =	ssyncadd.s32 $0xFFFFE000  }
0x2b: {  	[spmem:s13] =	stream.linear.scatter [tilespmem:s14], [sflag:$0x2], $0x2000, $0x38;
	[tilespmem:$0x16000] =	vst v63  }
0x2c: {  	_ =	swait.ge [sflag:s15], $0x2000  }
0x2d: {  	[sflag:s15] =	ssyncset.done $0x0  }
0x2e: {  	s21 =	simm.s32 $0x0;
	[sflag:s15] =	ssyncadd.s32 $0xFFFFE000  }
0x2f: {  	[tilespmem:s21], [sflag:$0x2] =	stream.linear.gather [hbm4b:s6+s21], $0x5000, $0x38;
	[tilespmem:$0x16000] =	vst v63  }
0x30: {  	_ =	swait.ge [sflag:s15], $0x5000  }
0x31: {  	[sflag:s15] =	ssyncset.done $0x0  }
0x32: {  	[sflag:s15] =	ssyncadd.s32 $0xFFFFB000  }
0x33: {  	[tilespmem:s16], [sflag:$0x2] =	stream.linear.gather [hbm4b:s7+s21], $0x5000, $0x38;
	[tilespmem:$0x16000] =	vst v63  }
0x34: {  	_ =	swait.ge [sflag:s15], $0x5000  }
0x35: {  	[sflag:s15] =	ssyncset.done $0x0  }
0x36: {  	[sflag:s15] =	ssyncadd.s32 $0xFFFFB000  }
0x37: {  	s30 =	simm.s32 $0x0;
	[bflag:$0x0] =	sbarrier.arrive $0xFFFF  }
0x38: {  	[tilespmem:s14], [sflag:$0x1] =	stream.indirect.gather [hbm4b:s4+s17], $0x40, s30, s17, $0xb8;
	[tilespmem:$0x16000] =	vst v63  }
0x39: {  	_ =	swait.ge [sflag:s18], $0x2000  }
0x3a: {  	[sflag:s18] =	ssyncset.done $0x0  }
0x3b: {  	s31 =	simm.s32 $0x5000;
	[sflag:s18] =	ssyncadd.s32 $0xFFFFE000  }
0x3c: {  	[spmem:s2] =	stream.indirect.scatter.add.f32 [tilespmem:s14], [sflag:$0x2], $0x40, s31, s17, $0xb8;
	[tilespmem:$0x16000] =	vst v63  }
0x3d: {  	_ =	swait.ge [sflag:s15], $0x2000  }
0x3e: {  	s22 =	simm.s32 $0x400;
	s21 =	simm.s32 $0x200;
	[sflag:s15] =	ssyncset.done $0x0  }
.LBB2_4:
0x3f: {  	s23 =	sshra.s32 s21, $0x2  }
0x40: {  	[sflag:s15] =	ssyncadd.s32 $0xFFFFE000;
	s21 =	smov.u32 s22;
	s24 =	sadd.s32 $0x200, s22  }
0x41: {  	[tilespmem:s14], [sflag:$0x1] =	stream.indirect.gather [hbm4b:s4+s17], $0x40, s23, s17, $0xb8;
	[tilespmem:$0x16000] =	vst v63  }
0x42: {  	p0 =	sne.s32 s22, $0x13E00;
	_ =	swait.ge [sflag:s18], $0x2000  }
.Ltmp1:
0x43: {  	[sflag:s18] =	ssyncset.done $0x0;
	(pc) =	sbr.rel @p0 .LBB2_4-.Ltmp1, $4  }
0x44: {  	s22 =	sadd.s32 $0x5000, s23;
	[sflag:s18] =	ssyncadd.s32 $0xFFFFE000  }
0x45: {  	[spmem:s2] =	stream.indirect.scatter.add.f32 [tilespmem:s14], [sflag:$0x2], $0x40, s22, s17, $0xb8;
	[tilespmem:$0x16000] =	vst v63  }
0x46: {  	_ =	swait.ge [sflag:s15], $0x2000  }
0x47: {  	s22 =	smov.u32 s24;
	[sflag:s15] =	ssyncset.done $0x0  }
0x48: {  	s21 =	sshra.s32 s21, $0x2;
	[sflag:s15] =	ssyncadd.s32 $0xFFFFE000  }
0x49: {  	[tilespmem:s14], [sflag:$0x1] =	stream.indirect.gather [hbm4b:s4+s17], $0x40, s21, s17, $0xb8;
	[tilespmem:$0x16000] =	vst v63  }
0x4a: {  	_ =	swait.ge [sflag:s18], $0x2000  }
0x4b: {  	[sflag:s18] =	ssyncset.done $0x0  }
0x4c: {  	s21 =	sadd.s32 $0x5000, s21;
	[sflag:s18] =	ssyncadd.s32 $0xFFFFE000  }
0x4d: {  	[spmem:s2] =	stream.indirect.scatter.add.f32 [tilespmem:s14], [sflag:$0x2], $0x40, s21, s17, $0xb8;
	[tilespmem:$0x16000] =	vst v63  }
0x4e: {  	_ =	swait.ge [sflag:s15], $0x2000  }
0x4f: {  	s20 =	sadd.s32 $0x1, s20;
	[sflag:s15] =	ssyncset.done $0x0  }
0x50: {  	s31 =	sshll.u32 s0, $0x6;
	p0 =	sne.s32 s20, s9;
	[sflag:s15] =	ssyncadd.s32 $0xFFFFE000  }
.Ltmp2:
0x51: {  	s21 =	sor.u32 $0x1C02, s31;
	[bflag:$0x0] =	sbarrier.arrive $0xFFFF;
	(pc) =	sbr.rel @p0 .LBB2_1-.Ltmp2, $4  }
0x52: {  	[hbm:s8], [sflag:s21] =	dma.local [spmem:s19], $0x1400  }
0x53: {  	_ =	swait.ge [sflag:s15], $0x1400  }
0x54: {  	[sflag:s15] =	ssyncset.done $0x0  }
0x55: {  	[sflag:s15] =	ssyncadd.s32 $0xFFFFEC00  }
0x56: {  	_ =	sfence.sel $0x180000  }
0x57: {  	[bflag:$0x0] =	sbarrier.arrive $0xFFFF  }
0x58: {  	p0 =	sne.s32 s0, $0x0;
	_ =	strace $0x9000004A  }
0x59: {  	s0 =	sadd.s32 @!p0 $0x100000, s1;
	[bflag:$0x2] =	sbarrier.arrive $0xFFFF  }
0x5a: {  	[sflag:s0] =	ssyncadd.tile.s32 @!p0 $0x1;
	_ =	shalt  }
.Lfunc_end2:
_tile_overlayer_lowered:
.L_overlay_start_2:
0x5b: {  	(tag) =	ssettag $0x2  }
0x5c: {  	s0 =	rddreg [dreg:$0x0];
	s2 =	stileid.u32  }
0x5d: {  	s1 =	rddreg [dreg:$0x1];
	p0 =	sne.s32 s2, $0x0  }
0x5e: {  	s3 =	rddreg [dreg:$0x2];
	[bflag:$0x3] =	sbarrier.arrive $0xFFFF;
	s2 =	simm.s32 @!p0 $0x1C02  }
0x5f: {  	[timem:s3], [sflag:s2] =	dma.local @!p0 [hbm:s0], s1  }
0x60: {  	s0 =	simm.s32 @!p0 $0x2  }
0x61: {  	_ =	swait.ge @!p0 [sflag:s0], s1  }
0x62: {  	s1 =	ssub.s32 @!p0 $0x0, s1;
	[sflag:s0] =	ssyncset.done @!p0 $0x0  }
0x63: {  	[sflag:s0] =	ssyncadd.s32 @!p0 s1  }
0x64: {  	[bflag:$0x3] =	sbarrier.arrive $0xFFFF  }
0x65: {  	_ =	shalt  }

</sc_bundles>
